<compile_context>
chip_gen: v7x
topology: tpu7x:2x2x1
jax: 0.10.2.dev20260603
libtpu: 0.0.44.dev20260713+nightly
codegen_flags: <defaults>
</compile_context>

<pallas_src>
import functools

import jax
import jax.numpy as jnp
from jax import lax
from jax.experimental import pallas as pl
from jax.experimental.pallas import tpu as pltpu
from jax.experimental.pallas import tpu_sc as plsc

S = 8192
N = 4
D = 768
NC = 2
NS = 16
NW = NC * NS
ROWS_PER_W = S // NW
RB = 64
NBLK = ROWS_PER_W // RB

_mesh = plsc.VectorSubcoreMesh(core_axis_name="c", subcore_axis_name="s")


@functools.partial(
    pl.kernel,
    mesh=_mesh,
    out_type=jax.ShapeDtypeStruct((S, N, D), jnp.float32),
    scratch_types=[
        pltpu.VMEM((RB, D), jnp.float32),
        pltpu.VMEM((RB, D), jnp.float32),
        pltpu.SemaphoreType.DMA,
        pltpu.SemaphoreType.DMA,
        pltpu.SemaphoreType.DMA,
        pltpu.SemaphoreType.DMA,
    ],
)
def _sc_bcast(table_hbm, out_hbm, buf0, buf1, sr0, sr1, sw0, sw1):
    wid = lax.axis_index("s") * NC + lax.axis_index("c")
    base0 = wid * ROWS_PER_W
    bufs = (buf0, buf1)
    srs = (sr0, sr1)
    sws = (sw0, sw1)

    def blk(i):
        return pl.ds(base0 + i * RB, RB)

    reads = [
        pltpu.async_copy(table_hbm.at[blk(0)], buf0, sr0),
        pltpu.async_copy(table_hbm.at[blk(1)], buf1, sr1),
    ]
    tail_writes = []
    for i in range(NBLK):
        b = i % 2
        reads[b].wait()
        ws = [
            pltpu.async_copy(bufs[b], out_hbm.at[blk(i), n], sws[b])
            for n in range(N)
        ]
        if i + 2 < NBLK:
            for w in ws:
                w.wait()
            reads[b] = pltpu.async_copy(table_hbm.at[blk(i + 2)], bufs[b], srs[b])
        else:
            tail_writes.extend(ws)
    for w in tail_writes:
        w.wait()


def kernel(x, pos_embedding):
    del x
    return _sc_bcast(pos_embedding)

# --- scband reference (transcript-rebuilt; emitter-appended) ---
"""Pipeline reference for scband-positional-encoding-80023830659613 (READ-ONLY COPY).

The authoritative reference and input builder live on the scoring server;
editing this copy changes nothing except your own understanding.
"""

import jax, jax.numpy as jnp
import numpy as np

D_MODEL = 768
MAX_LEN = 8192
S, N = 8192, 4

def setup_inputs(seed: int = 0) -> dict:
    key = jax.random.key(seed)
    k1, k2 = jax.random.split(key)
    x = jax.random.randint(k1, (S, N), 0, 1000, dtype=jnp.int64) if jax.config.jax_enable_x64 else jax.random.randint(k1, (S, N), 0, 1000, dtype=jnp.int32)
    pos_embedding = jax.random.normal(k2, (MAX_LEN, D_MODEL), dtype=jnp.float32) * 0.02
    return {"x": x, "pos_embedding": pos_embedding}

def reference(x, pos_embedding):
    # enumerate_range: pos[s, n] = s, shape (S, N)
    S_, N_ = x.shape
    pos = jnp.broadcast_to(jnp.arange(S_, dtype=jnp.int32)[:, None], (S_, N_))
    # nn.Embedding lookup: table[pos] -> (S, N, d_model)
    out = jnp.take(pos_embedding, pos, axis=0)
    return out

if __name__ == "__main__":
    import jax
    _d = setup_inputs()
    print(jax.jit(kernel)(*tuple(_d.values())))

</pallas_src>

<mosaic_0001>
#map = affine_map<(d0, d1) -> (0, 0)>
#map1 = affine_map<(d0, d1) -> (0, 0, 0)>
module attributes {stable_mosaic.version = 14 : i64} {
  func.func @_sc_bcast(%arg0: i32, %arg1: i32, %arg2: memref<8192x768xf32, #tpu.memory_space<hbm>>, %arg3: memref<8192x4x768xf32, #tpu.memory_space<hbm>>, %arg4: memref<64x768xf32, #tpu.memory_space<vmem>>, %arg5: memref<64x768xf32, #tpu.memory_space<vmem>>, %arg6: memref<!tpu.dma_semaphore, #tpu.memory_space<semaphore_mem>>, %arg7: memref<!tpu.dma_semaphore, #tpu.memory_space<semaphore_mem>>, %arg8: memref<!tpu.dma_semaphore, #tpu.memory_space<semaphore_mem>>, %arg9: memref<!tpu.dma_semaphore, #tpu.memory_space<semaphore_mem>>) attributes {dimension_semantics = [#tpu.dimension_semantics<core_parallel>, #tpu.dimension_semantics<subcore_parallel>], iteration_bounds = array<i64: 2, 16>, scalar_prefetch = 0 : i64, scratch_operands = 6 : i64, tpu.core_type = #tpu.core_type<sc_vector_subcore>, window_params = [{transform_indices = #map}, {transform_indices = #map1}]} {
    %mul3A = arith.constant 2 : i32
    %mul3A_0 = arith.muli %arg1, %mul3A : i32
    %add3A = arith.addi %mul3A_0, %arg0 : i32
    %mul3A_1 = arith.constant 256 : i32
    %mul3A_2 = arith.muli %add3A, %mul3A_1 : i32
    %add3A_3 = arith.constant 0 : i32
    %add3A_4 = arith.addi %mul3A_2, %add3A_3 : i32
    %dma_start3A = arith.constant 0 : i32
    %dma_start3A_5 = tpu.memref_slice %arg2[%add3A_4, %dma_start3A] : memref<8192x768xf32, #tpu.memory_space<hbm>> -> memref<64x768xf32, #tpu.memory_space<hbm>>
    %dma_start3A_6 = arith.constant 0 : i32
    %dma_start3A_7 = tpu.memref_slice %arg2[%add3A_4, %dma_start3A_6] : memref<8192x768xf32, #tpu.memory_space<hbm>> -> memref<64x768xf32, #tpu.memory_space<hbm>>
    tpu.enqueue_dma source(%dma_start3A_7 : memref<64x768xf32, #tpu.memory_space<hbm>>) target(%arg4 : memref<64x768xf32, #tpu.memory_space<vmem>>) target_semaphore(%arg6 : memref<!tpu.dma_semaphore, #tpu.memory_space<semaphore_mem>>)
    %add3A_8 = arith.constant 64 : i32
    %add3A_9 = arith.addi %mul3A_2, %add3A_8 : i32
    %dma_start3A_10 = arith.constant 0 : i32
    %dma_start3A_11 = tpu.memref_slice %arg2[%add3A_9, %dma_start3A_10] : memref<8192x768xf32, #tpu.memory_space<hbm>> -> memref<64x768xf32, #tpu.memory_space<hbm>>
    %dma_start3A_12 = arith.constant 0 : i32
    %dma_start3A_13 = tpu.memref_slice %arg2[%add3A_9, %dma_start3A_12] : memref<8192x768xf32, #tpu.memory_space<hbm>> -> memref<64x768xf32, #tpu.memory_space<hbm>>
    tpu.enqueue_dma source(%dma_start3A_13 : memref<64x768xf32, #tpu.memory_space<hbm>>) target(%arg5 : memref<64x768xf32, #tpu.memory_space<vmem>>) target_semaphore(%arg7 : memref<!tpu.dma_semaphore, #tpu.memory_space<semaphore_mem>>)
    %dma_wait3A = arith.constant 0 : i32
    %dma_wait3A_14 = tpu.memref_slice %arg2[%add3A_4, %dma_wait3A] : memref<8192x768xf32, #tpu.memory_space<hbm>> -> memref<64x768xf32, #tpu.memory_space<hbm>>
    %dma_wait3A_15 = arith.constant 0 : i32
    %dma_wait3A_16 = tpu.memref_slice %arg2[%add3A_4, %dma_wait3A_15] : memref<8192x768xf32, #tpu.memory_space<hbm>> -> memref<64x768xf32, #tpu.memory_space<hbm>>
    tpu.wait_dma2 semaphore(%arg6 : memref<!tpu.dma_semaphore, #tpu.memory_space<semaphore_mem>>) src(%dma_wait3A_16 : memref<64x768xf32, #tpu.memory_space<hbm>>) dst(%arg4 : memref<64x768xf32, #tpu.memory_space<vmem>>)
    %add3A_17 = arith.constant 0 : i32
    %add3A_18 = arith.addi %mul3A_2, %add3A_17 : i32
    %dma_start3A_19 = arith.constant 0 : i32
    %dma_start3A_20 = arith.constant 0 : i32
    %dma_start3A_21 = tpu.memref_slice %arg3[%add3A_18, %dma_start3A_19, %dma_start3A_20] : memref<8192x4x768xf32, #tpu.memory_space<hbm>> -> memref<64x1x768xf32, #tpu.memory_space<hbm>>
    %dma_start3A_22 = tpu.memref_squeeze %dma_start3A_21 : memref<64x1x768xf32, #tpu.memory_space<hbm>> -> memref<64x768xf32, #tpu.memory_space<hbm>>
    %dma_start3A_23 = arith.constant 0 : i32
    %dma_start3A_24 = tpu.memref_slice %arg3[%add3A_18, %dma_start3A_19, %dma_start3A_23] : memref<8192x4x768xf32, #tpu.memory_space<hbm>> -> memref<64x1x768xf32, #tpu.memory_space<hbm>>
    %dma_start3A_25 = tpu.memref_squeeze %dma_start3A_24 : memref<64x1x768xf32, #tpu.memory_space<hbm>> -> memref<64x768xf32, #tpu.memory_space<hbm>>
    tpu.enqueue_dma source(%arg4 : memref<64x768xf32, #tpu.memory_space<vmem>>) target(%dma_start3A_25 : memref<64x768xf32, #tpu.memory_space<hbm>>) target_semaphore(%arg8 : memref<!tpu.dma_semaphore, #tpu.memory_space<semaphore_mem>>)
    %add3A_26 = arith.constant 0 : i32
    %add3A_27 = arith.addi %mul3A_2, %add3A_26 : i32
    %dma_start3A_28 = arith.constant 1 : i32
    %dma_start3A_29 = arith.constant 0 : i32
    %dma_start3A_30 = tpu.memref_slice %arg3[%add3A_27, %dma_start3A_28, %dma_start3A_29] : memref<8192x4x768xf32, #tpu.memory_space<hbm>> -> memref<64x1x768xf32, #tpu.memory_space<hbm>>
    %dma_start3A_31 = tpu.memref_squeeze %dma_start3A_30 : memref<64x1x768xf32, #tpu.memory_space<hbm>> -> memref<64x768xf32, #tpu.memory_space<hbm>>
    %dma_start3A_32 = arith.constant 0 : i32
    %dma_start3A_33 = tpu.memref_slice %arg3[%add3A_27, %dma_start3A_28, %dma_start3A_32] : memref<8192x4x768xf32, #tpu.memory_space<hbm>> -> memref<64x1x768xf32, #tpu.memory_space<hbm>>
    %dma_start3A_34 = tpu.memref_squeeze %dma_start3A_33 : memref<64x1x768xf32, #tpu.memory_space<hbm>> -> memref<64x768xf32, #tpu.memory_space<hbm>>
    tpu.enqueue_dma source(%arg4 : memref<64x768xf32, #tpu.memory_space<vmem>>) target(%dma_start3A_34 : memref<64x768xf32, #tpu.memory_space<hbm>>) target_semaphore(%arg8 : memref<!tpu.dma_semaphore, #tpu.memory_space<semaphore_mem>>)
    %add3A_35 = arith.constant 0 : i32
    %add3A_36 = arith.addi %mul3A_2, %add3A_35 : i32
    %dma_start3A_37 = arith.constant 2 : i32
    %dma_start3A_38 = arith.constant 0 : i32
    %dma_start3A_39 = tpu.memref_slice %arg3[%add3A_36, %dma_start3A_37, %dma_start3A_38] : memref<8192x4x768xf32, #tpu.memory_space<hbm>> -> memref<64x1x768xf32, #tpu.memory_space<hbm>>
    %dma_start3A_40 = tpu.memref_squeeze %dma_start3A_39 : memref<64x1x768xf32, #tpu.memory_space<hbm>> -> memref<64x768xf32, #tpu.memory_space<hbm>>
    %dma_start3A_41 = arith.constant 0 : i32
    %dma_start3A_42 = tpu.memref_slice %arg3[%add3A_36, %dma_start3A_37, %dma_start3A_41] : memref<8192x4x768xf32, #tpu.memory_space<hbm>> -> memref<64x1x768xf32, #tpu.memory_space<hbm>>
    %dma_start3A_43 = tpu.memref_squeeze %dma_start3A_42 : memref<64x1x768xf32, #tpu.memory_space<hbm>> -> memref<64x768xf32, #tpu.memory_space<hbm>>
    tpu.enqueue_dma source(%arg4 : memref<64x768xf32, #tpu.memory_space<vmem>>) target(%dma_start3A_43 : memref<64x768xf32, #tpu.memory_space<hbm>>) target_semaphore(%arg8 : memref<!tpu.dma_semaphore, #tpu.memory_space<semaphore_mem>>)
    %add3A_44 = arith.constant 0 : i32
    %add3A_45 = arith.addi %mul3A_2, %add3A_44 : i32
    %dma_start3A_46 = arith.constant 3 : i32
    %dma_start3A_47 = arith.constant 0 : i32
    %dma_start3A_48 = tpu.memref_slice %arg3[%add3A_45, %dma_start3A_46, %dma_start3A_47] : memref<8192x4x768xf32, #tpu.memory_space<hbm>> -> memref<64x1x768xf32, #tpu.memory_space<hbm>>
    %dma_start3A_49 = tpu.memref_squeeze %dma_start3A_48 : memref<64x1x768xf32, #tpu.memory_space<hbm>> -> memref<64x768xf32, #tpu.memory_space<hbm>>
    %dma_start3A_50 = arith.constant 0 : i32
    %dma_start3A_51 = tpu.memref_slice %arg3[%add3A_45, %dma_start3A_46, %dma_start3A_50] : memref<8192x4x768xf32, #tpu.memory_space<hbm>> -> memref<64x1x768xf32, #tpu.memory_space<hbm>>
    %dma_start3A_52 = tpu.memref_squeeze %dma_start3A_51 : memref<64x1x768xf32, #tpu.memory_space<hbm>> -> memref<64x768xf32, #tpu.memory_space<hbm>>
    tpu.enqueue_dma source(%arg4 : memref<64x768xf32, #tpu.memory_space<vmem>>) target(%dma_start3A_52 : memref<64x768xf32, #tpu.memory_space<hbm>>) target_semaphore(%arg8 : memref<!tpu.dma_semaphore, #tpu.memory_space<semaphore_mem>>)
    %dma_wait3A_53 = arith.constant 0 : i32
    %dma_wait3A_54 = arith.constant 0 : i32
    %dma_wait3A_55 = tpu.memref_slice %arg3[%add3A_18, %dma_wait3A_53, %dma_wait3A_54] : memref<8192x4x768xf32, #tpu.memory_space<hbm>> -> memref<64x1x768xf32, #tpu.memory_space<hbm>>
    %dma_wait3A_56 = tpu.memref_squeeze %dma_wait3A_55 : memref<64x1x768xf32, #tpu.memory_space<hbm>> -> memref<64x768xf32, #tpu.memory_space<hbm>>
    %dma_wait3A_57 = arith.constant 0 : i32
    %dma_wait3A_58 = tpu.memref_slice %arg3[%add3A_18, %dma_wait3A_53, %dma_wait3A_57] : memref<8192x4x768xf32, #tpu.memory_space<hbm>> -> memref<64x1x768xf32, #tpu.memory_space<hbm>>
    %dma_wait3A_59 = tpu.memref_squeeze %dma_wait3A_58 : memref<64x1x768xf32, #tpu.memory_space<hbm>> -> memref<64x768xf32, #tpu.memory_space<hbm>>
    tpu.wait_dma2 semaphore(%arg8 : memref<!tpu.dma_semaphore, #tpu.memory_space<semaphore_mem>>) src(%arg4 : memref<64x768xf32, #tpu.memory_space<vmem>>) dst(%dma_wait3A_59 : memref<64x768xf32, #tpu.memory_space<hbm>>)
    %dma_wait3A_60 = arith.constant 1 : i32
    %dma_wait3A_61 = arith.constant 0 : i32
    %dma_wait3A_62 = tpu.memref_slice %arg3[%add3A_27, %dma_wait3A_60, %dma_wait3A_61] : memref<8192x4x768xf32, #tpu.memory_space<hbm>> -> memref<64x1x768xf32, #tpu.memory_space<hbm>>
    %dma_wait3A_63 = tpu.memref_squeeze %dma_wait3A_62 : memref<64x1x768xf32, #tpu.memory_space<hbm>> -> memref<64x768xf32, #tpu.memory_space<hbm>>
    %dma_wait3A_64 = arith.constant 0 : i32
    %dma_wait3A_65 = tpu.memref_slice %arg3[%add3A_27, %dma_wait3A_60, %dma_wait3A_64] : memref<8192x4x768xf32, #tpu.memory_space<hbm>> -> memref<64x1x768xf32, #tpu.memory_space<hbm>>
    %dma_wait3A_66 = tpu.memref_squeeze %dma_wait3A_65 : memref<64x1x768xf32, #tpu.memory_space<hbm>> -> memref<64x768xf32, #tpu.memory_space<hbm>>
    tpu.wait_dma2 semaphore(%arg8 : memref<!tpu.dma_semaphore, #tpu.memory_space<semaphore_mem>>) src(%arg4 : memref<64x768xf32, #tpu.memory_space<vmem>>) dst(%dma_wait3A_66 : memref<64x768xf32, #tpu.memory_space<hbm>>)
    %dma_wait3A_67 = arith.constant 2 : i32
    %dma_wait3A_68 = arith.constant 0 : i32
    %dma_wait3A_69 = tpu.memref_slice %arg3[%add3A_36, %dma_wait3A_67, %dma_wait3A_68] : memref<8192x4x768xf32, #tpu.memory_space<hbm>> -> memref<64x1x768xf32, #tpu.memory_space<hbm>>
    %dma_wait3A_70 = tpu.memref_squeeze %dma_wait3A_69 : memref<64x1x768xf32, #tpu.memory_space<hbm>> -> memref<64x768xf32, #tpu.memory_space<hbm>>
    %dma_wait3A_71 = arith.constant 0 : i32
    %dma_wait3A_72 = tpu.memref_slice %arg3[%add3A_36, %dma_wait3A_67, %dma_wait3A_71] : memref<8192x4x768xf32, #tpu.memory_space<hbm>> -> memref<64x1x768xf32, #tpu.memory_space<hbm>>
    %dma_wait3A_73 = tpu.memref_squeeze %dma_wait3A_72 : memref<64x1x768xf32, #tpu.memory_space<hbm>> -> memref<64x768xf32, #tpu.memory_space<hbm>>
    tpu.wait_dma2 semaphore(%arg8 : memref<!tpu.dma_semaphore, #tpu.memory_space<semaphore_mem>>) src(%arg4 : memref<64x768xf32, #tpu.memory_space<vmem>>) dst(%dma_wait3A_73 : memref<64x768xf32, #tpu.memory_space<hbm>>)
    %dma_wait3A_74 = arith.constant 3 : i32
    %dma_wait3A_75 = arith.constant 0 : i32
    %dma_wait3A_76 = tpu.memref_slice %arg3[%add3A_45, %dma_wait3A_74, %dma_wait3A_75] : memref<8192x4x768xf32, #tpu.memory_space<hbm>> -> memref<64x1x768xf32, #tpu.memory_space<hbm>>
    %dma_wait3A_77 = tpu.memref_squeeze %dma_wait3A_76 : memref<64x1x768xf32, #tpu.memory_space<hbm>> -> memref<64x768xf32, #tpu.memory_space<hbm>>
    %dma_wait3A_78 = arith.constant 0 : i32
    %dma_wait3A_79 = tpu.memref_slice %arg3[%add3A_45, %dma_wait3A_74, %dma_wait3A_78] : memref<8192x4x768xf32, #tpu.memory_space<hbm>> -> memref<64x1x768xf32, #tpu.memory_space<hbm>>
    %dma_wait3A_80 = tpu.memref_squeeze %dma_wait3A_79 : memref<64x1x768xf32, #tpu.memory_space<hbm>> -> memref<64x768xf32, #tpu.memory_space<hbm>>
    tpu.wait_dma2 semaphore(%arg8 : memref<!tpu.dma_semaphore, #tpu.memory_space<semaphore_mem>>) src(%arg4 : memref<64x768xf32, #tpu.memory_space<vmem>>) dst(%dma_wait3A_80 : memref<64x768xf32, #tpu.memory_space<hbm>>)
    %add3A_81 = arith.constant 128 : i32
    %add3A_82 = arith.addi %mul3A_2, %add3A_81 : i32
    %dma_start3A_83 = arith.constant 0 : i32
    %dma_start3A_84 = tpu.memref_slice %arg2[%add3A_82, %dma_start3A_83] : memref<8192x768xf32, #tpu.memory_space<hbm>> -> memref<64x768xf32, #tpu.memory_space<hbm>>
    %dma_start3A_85 = arith.constant 0 : i32
    %dma_start3A_86 = tpu.memref_slice %arg2[%add3A_82, %dma_start3A_85] : memref<8192x768xf32, #tpu.memory_space<hbm>> -> memref<64x768xf32, #tpu.memory_space<hbm>>
    tpu.enqueue_dma source(%dma_start3A_86 : memref<64x768xf32, #tpu.memory_space<hbm>>) target(%arg4 : memref<64x768xf32, #tpu.memory_space<vmem>>) target_semaphore(%arg6 : memref<!tpu.dma_semaphore, #tpu.memory_space<semaphore_mem>>)
    %dma_wait3A_87 = arith.constant 0 : i32
    %dma_wait3A_88 = tpu.memref_slice %arg2[%add3A_9, %dma_wait3A_87] : memref<8192x768xf32, #tpu.memory_space<hbm>> -> memref<64x768xf32, #tpu.memory_space<hbm>>
    %dma_wait3A_89 = arith.constant 0 : i32
    %dma_wait3A_90 = tpu.memref_slice %arg2[%add3A_9, %dma_wait3A_89] : memref<8192x768xf32, #tpu.memory_space<hbm>> -> memref<64x768xf32, #tpu.memory_space<hbm>>
    tpu.wait_dma2 semaphore(%arg7 : memref<!tpu.dma_semaphore, #tpu.memory_space<semaphore_mem>>) src(%dma_wait3A_90 : memref<64x768xf32, #tpu.memory_space<hbm>>) dst(%arg5 : memref<64x768xf32, #tpu.memory_space<vmem>>)
    %add3A_91 = arith.constant 64 : i32
    %add3A_92 = arith.addi %mul3A_2, %add3A_91 : i32
    %dma_start3A_93 = arith.constant 0 : i32
    %dma_start3A_94 = arith.constant 0 : i32
    %dma_start3A_95 = tpu.memref_slice %arg3[%add3A_92, %dma_start3A_93, %dma_start3A_94] : memref<8192x4x768xf32, #tpu.memory_space<hbm>> -> memref<64x1x768xf32, #tpu.memory_space<hbm>>
    %dma_start3A_96 = tpu.memref_squeeze %dma_start3A_95 : memref<64x1x768xf32, #tpu.memory_space<hbm>> -> memref<64x768xf32, #tpu.memory_space<hbm>>
    %dma_start3A_97 = arith.constant 0 : i32
    %dma_start3A_98 = tpu.memref_slice %arg3[%add3A_92, %dma_start3A_93, %dma_start3A_97] : memref<8192x4x768xf32, #tpu.memory_space<hbm>> -> memref<64x1x768xf32, #tpu.memory_space<hbm>>
    %dma_start3A_99 = tpu.memref_squeeze %dma_start3A_98 : memref<64x1x768xf32, #tpu.memory_space<hbm>> -> memref<64x768xf32, #tpu.memory_space<hbm>>
    tpu.enqueue_dma source(%arg5 : memref<64x768xf32, #tpu.memory_space<vmem>>) target(%dma_start3A_99 : memref<64x768xf32, #tpu.memory_space<hbm>>) target_semaphore(%arg9 : memref<!tpu.dma_semaphore, #tpu.memory_space<semaphore_mem>>)
    %add3A_100 = arith.constant 64 : i32
    %add3A_101 = arith.addi %mul3A_2, %add3A_100 : i32
    %dma_start3A_102 = arith.constant 1 : i32
    %dma_start3A_103 = arith.constant 0 : i32
    %dma_start3A_104 = tpu.memref_slice %arg3[%add3A_101, %dma_start3A_102, %dma_start3A_103] : memref<8192x4x768xf32, #tpu.memory_space<hbm>> -> memref<64x1x768xf32, #tpu.memory_space<hbm>>
    %dma_start3A_105 = tpu.memref_squeeze %dma_start3A_104 : memref<64x1x768xf32, #tpu.memory_space<hbm>> -> memref<64x768xf32, #tpu.memory_space<hbm>>
    %dma_start3A_106 = arith.constant 0 : i32
    %dma_start3A_107 = tpu.memref_slice %arg3[%add3A_101, %dma_start3A_102, %dma_start3A_106] : memref<8192x4x768xf32, #tpu.memory_space<hbm>> -> memref<64x1x768xf32, #tpu.memory_space<hbm>>
    %dma_start3A_108 = tpu.memref_squeeze %dma_start3A_107 : memref<64x1x768xf32, #tpu.memory_space<hbm>> -> memref<64x768xf32, #tpu.memory_space<hbm>>
    tpu.enqueue_dma source(%arg5 : memref<64x768xf32, #tpu.memory_space<vmem>>) target(%dma_start3A_108 : memref<64x768xf32, #tpu.memory_space<hbm>>) target_semaphore(%arg9 : memref<!tpu.dma_semaphore, #tpu.memory_space<semaphore_mem>>)
    %add3A_109 = arith.constant 64 : i32
    %add3A_110 = arith.addi %mul3A_2, %add3A_109 : i32
    %dma_start3A_111 = arith.constant 2 : i32
    %dma_start3A_112 = arith.constant 0 : i32
    %dma_start3A_113 = tpu.memref_slice %arg3[%add3A_110, %dma_start3A_111, %dma_start3A_112] : memref<8192x4x768xf32, #tpu.memory_space<hbm>> -> memref<64x1x768xf32, #tpu.memory_space<hbm>>
    %dma_start3A_114 = tpu.memref_squeeze %dma_start3A_113 : memref<64x1x768xf32, #tpu.memory_space<hbm>> -> memref<64x768xf32, #tpu.memory_space<hbm>>
    %dma_start3A_115 = arith.constant 0 : i32
    %dma_start3A_116 = tpu.memref_slice %arg3[%add3A_110, %dma_start3A_111, %dma_start3A_115] : memref<8192x4x768xf32, #tpu.memory_space<hbm>> -> memref<64x1x768xf32, #tpu.memory_space<hbm>>
    %dma_start3A_117 = tpu.memref_squeeze %dma_start3A_116 : memref<64x1x768xf32, #tpu.memory_space<hbm>> -> memref<64x768xf32, #tpu.memory_space<hbm>>
    tpu.enqueue_dma source(%arg5 : memref<64x768xf32, #tpu.memory_space<vmem>>) target(%dma_start3A_117 : memref<64x768xf32, #tpu.memory_space<hbm>>) target_semaphore(%arg9 : memref<!tpu.dma_semaphore, #tpu.memory_space<semaphore_mem>>)
    %add3A_118 = arith.constant 64 : i32
    %add3A_119 = arith.addi %mul3A_2, %add3A_118 : i32
    %dma_start3A_120 = arith.constant 3 : i32
    %dma_start3A_121 = arith.constant 0 : i32
    %dma_start3A_122 = tpu.memref_slice %arg3[%add3A_119, %dma_start3A_120, %dma_start3A_121] : memref<8192x4x768xf32, #tpu.memory_space<hbm>> -> memref<64x1x768xf32, #tpu.memory_space<hbm>>
    %dma_start3A_123 = tpu.memref_squeeze %dma_start3A_122 : memref<64x1x768xf32, #tpu.memory_space<hbm>> -> memref<64x768xf32, #tpu.memory_space<hbm>>
    %dma_start3A_124 = arith.constant 0 : i32
    %dma_start3A_125 = tpu.memref_slice %arg3[%add3A_119, %dma_start3A_120, %dma_start3A_124] : memref<8192x4x768xf32, #tpu.memory_space<hbm>> -> memref<64x1x768xf32, #tpu.memory_space<hbm>>
    %dma_start3A_126 = tpu.memref_squeeze %dma_start3A_125 : memref<64x1x768xf32, #tpu.memory_space<hbm>> -> memref<64x768xf32, #tpu.memory_space<hbm>>
    tpu.enqueue_dma source(%arg5 : memref<64x768xf32, #tpu.memory_space<vmem>>) target(%dma_start3A_126 : memref<64x768xf32, #tpu.memory_space<hbm>>) target_semaphore(%arg9 : memref<!tpu.dma_semaphore, #tpu.memory_space<semaphore_mem>>)
    %dma_wait3A_127 = arith.constant 0 : i32
    %dma_wait3A_128 = arith.constant 0 : i32
    %dma_wait3A_129 = tpu.memref_slice %arg3[%add3A_92, %dma_wait3A_127, %dma_wait3A_128] : memref<8192x4x768xf32, #tpu.memory_space<hbm>> -> memref<64x1x768xf32, #tpu.memory_space<hbm>>
    %dma_wait3A_130 = tpu.memref_squeeze %dma_wait3A_129 : memref<64x1x768xf32, #tpu.memory_space<hbm>> -> memref<64x768xf32, #tpu.memory_space<hbm>>
    %dma_wait3A_131 = arith.constant 0 : i32
    %dma_wait3A_132 = tpu.memref_slice %arg3[%add3A_92, %dma_wait3A_127, %dma_wait3A_131] : memref<8192x4x768xf32, #tpu.memory_space<hbm>> -> memref<64x1x768xf32, #tpu.memory_space<hbm>>
    %dma_wait3A_133 = tpu.memref_squeeze %dma_wait3A_132 : memref<64x1x768xf32, #tpu.memory_space<hbm>> -> memref<64x768xf32, #tpu.memory_space<hbm>>
    tpu.wait_dma2 semaphore(%arg9 : memref<!tpu.dma_semaphore, #tpu.memory_space<semaphore_mem>>) src(%arg5 : memref<64x768xf32, #tpu.memory_space<vmem>>) dst(%dma_wait3A_133 : memref<64x768xf32, #tpu.memory_space<hbm>>)
    %dma_wait3A_134 = arith.constant 1 : i32
    %dma_wait3A_135 = arith.constant 0 : i32
    %dma_wait3A_136 = tpu.memref_slice %arg3[%add3A_101, %dma_wait3A_134, %dma_wait3A_135] : memref<8192x4x768xf32, #tpu.memory_space<hbm>> -> memref<64x1x768xf32, #tpu.memory_space<hbm>>
    %dma_wait3A_137 = tpu.memref_squeeze %dma_wait3A_136 : memref<64x1x768xf32, #tpu.memory_space<hbm>> -> memref<64x768xf32, #tpu.memory_space<hbm>>
    %dma_wait3A_138 = arith.constant 0 : i32
    %dma_wait3A_139 = tpu.memref_slice %arg3[%add3A_101, %dma_wait3A_134, %dma_wait3A_138] : memref<8192x4x768xf32, #tpu.memory_space<hbm>> -> memref<64x1x768xf32, #tpu.memory_space<hbm>>
    %dma_wait3A_140 = tpu.memref_squeeze %dma_wait3A_139 : memref<64x1x768xf32, #tpu.memory_space<hbm>> -> memref<64x768xf32, #tpu.memory_space<hbm>>
    tpu.wait_dma2 semaphore(%arg9 : memref<!tpu.dma_semaphore, #tpu.memory_space<semaphore_mem>>) src(%arg5 : memref<64x768xf32, #tpu.memory_space<vmem>>) dst(%dma_wait3A_140 : memref<64x768xf32, #tpu.memory_space<hbm>>)
    %dma_wait3A_141 = arith.constant 2 : i32
    %dma_wait3A_142 = arith.constant 0 : i32
    %dma_wait3A_143 = tpu.memref_slice %arg3[%add3A_110, %dma_wait3A_141, %dma_wait3A_142] : memref<8192x4x768xf32, #tpu.memory_space<hbm>> -> memref<64x1x768xf32, #tpu.memory_space<hbm>>
    %dma_wait3A_144 = tpu.memref_squeeze %dma_wait3A_143 : memref<64x1x768xf32, #tpu.memory_space<hbm>> -> memref<64x768xf32, #tpu.memory_space<hbm>>
    %dma_wait3A_145 = arith.constant 0 : i32
    %dma_wait3A_146 = tpu.memref_slice %arg3[%add3A_110, %dma_wait3A_141, %dma_wait3A_145] : memref<8192x4x768xf32, #tpu.memory_space<hbm>> -> memref<64x1x768xf32, #tpu.memory_space<hbm>>
    %dma_wait3A_147 = tpu.memref_squeeze %dma_wait3A_146 : memref<64x1x768xf32, #tpu.memory_space<hbm>> -> memref<64x768xf32, #tpu.memory_space<hbm>>
    tpu.wait_dma2 semaphore(%arg9 : memref<!tpu.dma_semaphore, #tpu.memory_space<semaphore_mem>>) src(%arg5 : memref<64x768xf32, #tpu.memory_space<vmem>>) dst(%dma_wait3A_147 : memref<64x768xf32, #tpu.memory_space<hbm>>)
    %dma_wait3A_148 = arith.constant 3 : i32
    %dma_wait3A_149 = arith.constant 0 : i32
    %dma_wait3A_150 = tpu.memref_slice %arg3[%add3A_119, %dma_wait3A_148, %dma_wait3A_149] : memref<8192x4x768xf32, #tpu.memory_space<hbm>> -> memref<64x1x768xf32, #tpu.memory_space<hbm>>
    %dma_wait3A_151 = tpu.memref_squeeze %dma_wait3A_150 : memref<64x1x768xf32, #tpu.memory_space<hbm>> -> memref<64x768xf32, #tpu.memory_space<hbm>>
    %dma_wait3A_152 = arith.constant 0 : i32
    %dma_wait3A_153 = tpu.memref_slice %arg3[%add3A_119, %dma_wait3A_148, %dma_wait3A_152] : memref<8192x4x768xf32, #tpu.memory_space<hbm>> -> memref<64x1x768xf32, #tpu.memory_space<hbm>>
    %dma_wait3A_154 = tpu.memref_squeeze %dma_wait3A_153 : memref<64x1x768xf32, #tpu.memory_space<hbm>> -> memref<64x768xf32, #tpu.memory_space<hbm>>
    tpu.wait_dma2 semaphore(%arg9 : memref<!tpu.dma_semaphore, #tpu.memory_space<semaphore_mem>>) src(%arg5 : memref<64x768xf32, #tpu.memory_space<vmem>>) dst(%dma_wait3A_154 : memref<64x768xf32, #tpu.memory_space<hbm>>)
    %add3A_155 = arith.constant 192 : i32
    %add3A_156 = arith.addi %mul3A_2, %add3A_155 : i32
    %dma_start3A_157 = arith.constant 0 : i32
    %dma_start3A_158 = tpu.memref_slice %arg2[%add3A_156, %dma_start3A_157] : memref<8192x768xf32, #tpu.memory_space<hbm>> -> memref<64x768xf32, #tpu.memory_space<hbm>>
    %dma_start3A_159 = arith.constant 0 : i32
    %dma_start3A_160 = tpu.memref_slice %arg2[%add3A_156, %dma_start3A_159] : memref<8192x768xf32, #tpu.memory_space<hbm>> -> memref<64x768xf32, #tpu.memory_space<hbm>>
    tpu.enqueue_dma source(%dma_start3A_160 : memref<64x768xf32, #tpu.memory_space<hbm>>) target(%arg5 : memref<64x768xf32, #tpu.memory_space<vmem>>) target_semaphore(%arg7 : memref<!tpu.dma_semaphore, #tpu.memory_space<semaphore_mem>>)
    %dma_wait3A_161 = arith.constant 0 : i32
    %dma_wait3A_162 = tpu.memref_slice %arg2[%add3A_82, %dma_wait3A_161] : memref<8192x768xf32, #tpu.memory_space<hbm>> -> memref<64x768xf32, #tpu.memory_space<hbm>>
    %dma_wait3A_163 = arith.constant 0 : i32
    %dma_wait3A_164 = tpu.memref_slice %arg2[%add3A_82, %dma_wait3A_163] : memref<8192x768xf32, #tpu.memory_space<hbm>> -> memref<64x768xf32, #tpu.memory_space<hbm>>
    tpu.wait_dma2 semaphore(%arg6 : memref<!tpu.dma_semaphore, #tpu.memory_space<semaphore_mem>>) src(%dma_wait3A_164 : memref<64x768xf32, #tpu.memory_space<hbm>>) dst(%arg4 : memref<64x768xf32, #tpu.memory_space<vmem>>)
    %add3A_165 = arith.constant 128 : i32
    %add3A_166 = arith.addi %mul3A_2, %add3A_165 : i32
    %dma_start3A_167 = arith.constant 0 : i32
    %dma_start3A_168 = arith.constant 0 : i32
    %dma_start3A_169 = tpu.memref_slice %arg3[%add3A_166, %dma_start3A_167, %dma_start3A_168] : memref<8192x4x768xf32, #tpu.memory_space<hbm>> -> memref<64x1x768xf32, #tpu.memory_space<hbm>>
    %dma_start3A_170 = tpu.memref_squeeze %dma_start3A_169 : memref<64x1x768xf32, #tpu.memory_space<hbm>> -> memref<64x768xf32, #tpu.memory_space<hbm>>
    %dma_start3A_171 = arith.constant 0 : i32
    %dma_start3A_172 = tpu.memref_slice %arg3[%add3A_166, %dma_start3A_167, %dma_start3A_171] : memref<8192x4x768xf32, #tpu.memory_space<hbm>> -> memref<64x1x768xf32, #tpu.memory_space<hbm>>
    %dma_start3A_173 = tpu.memref_squeeze %dma_start3A_172 : memref<64x1x768xf32, #tpu.memory_space<hbm>> -> memref<64x768xf32, #tpu.memory_space<hbm>>
    tpu.enqueue_dma source(%arg4 : memref<64x768xf32, #tpu.memory_space<vmem>>) target(%dma_start3A_173 : memref<64x768xf32, #tpu.memory_space<hbm>>) target_semaphore(%arg8 : memref<!tpu.dma_semaphore, #tpu.memory_space<semaphore_mem>>)
    %add3A_174 = arith.constant 128 : i32
    %add3A_175 = arith.addi %mul3A_2, %add3A_174 : i32
    %dma_start3A_176 = arith.constant 1 : i32
    %dma_start3A_177 = arith.constant 0 : i32
    %dma_start3A_178 = tpu.memref_slice %arg3[%add3A_175, %dma_start3A_176, %dma_start3A_177] : memref<8192x4x768xf32, #tpu.memory_space<hbm>> -> memref<64x1x768xf32, #tpu.memory_space<hbm>>
    %dma_start3A_179 = tpu.memref_squeeze %dma_start3A_178 : memref<64x1x768xf32, #tpu.memory_space<hbm>> -> memref<64x768xf32, #tpu.memory_space<hbm>>
    %dma_start3A_180 = arith.constant 0 : i32
    %dma_start3A_181 = tpu.memref_slice %arg3[%add3A_175, %dma_start3A_176, %dma_start3A_180] : memref<8192x4x768xf32, #tpu.memory_space<hbm>> -> memref<64x1x768xf32, #tpu.memory_space<hbm>>
    %dma_start3A_182 = tpu.memref_squeeze %dma_start3A_181 : memref<64x1x768xf32, #tpu.memory_space<hbm>> -> memref<64x768xf32, #tpu.memory_space<hbm>>
    tpu.enqueue_dma source(%arg4 : memref<64x768xf32, #tpu.memory_space<vmem>>) target(%dma_start3A_182 : memref<64x768xf32, #tpu.memory_space<hbm>>) target_semaphore(%arg8 : memref<!tpu.dma_semaphore, #tpu.memory_space<semaphore_mem>>)
    %add3A_183 = arith.constant 128 : i32
    %add3A_184 = arith.addi %mul3A_2, %add3A_183 : i32
    %dma_start3A_185 = arith.constant 2 : i32
    %dma_start3A_186 = arith.constant 0 : i32
    %dma_start3A_187 = tpu.memref_slice %arg3[%add3A_184, %dma_start3A_185, %dma_start3A_186] : memref<8192x4x768xf32, #tpu.memory_space<hbm>> -> memref<64x1x768xf32, #tpu.memory_space<hbm>>
    %dma_start3A_188 = tpu.memref_squeeze %dma_start3A_187 : memref<64x1x768xf32, #tpu.memory_space<hbm>> -> memref<64x768xf32, #tpu.memory_space<hbm>>
    %dma_start3A_189 = arith.constant 0 : i32
    %dma_start3A_190 = tpu.memref_slice %arg3[%add3A_184, %dma_start3A_185, %dma_start3A_189] : memref<8192x4x768xf32, #tpu.memory_space<hbm>> -> memref<64x1x768xf32, #tpu.memory_space<hbm>>
    %dma_start3A_191 = tpu.memref_squeeze %dma_start3A_190 : memref<64x1x768xf32, #tpu.memory_space<hbm>> -> memref<64x768xf32, #tpu.memory_space<hbm>>
    tpu.enqueue_dma source(%arg4 : memref<64x768xf32, #tpu.memory_space<vmem>>) target(%dma_start3A_191 : memref<64x768xf32, #tpu.memory_space<hbm>>) target_semaphore(%arg8 : memref<!tpu.dma_semaphore, #tpu.memory_space<semaphore_mem>>)
    %add3A_192 = arith.constant 128 : i32
    %add3A_193 = arith.addi %mul3A_2, %add3A_192 : i32
    %dma_start3A_194 = arith.constant 3 : i32
    %dma_start3A_195 = arith.constant 0 : i32
    %dma_start3A_196 = tpu.memref_slice %arg3[%add3A_193, %dma_start3A_194, %dma_start3A_195] : memref<8192x4x768xf32, #tpu.memory_space<hbm>> -> memref<64x1x768xf32, #tpu.memory_space<hbm>>
    %dma_start3A_197 = tpu.memref_squeeze %dma_start3A_196 : memref<64x1x768xf32, #tpu.memory_space<hbm>> -> memref<64x768xf32, #tpu.memory_space<hbm>>
    %dma_start3A_198 = arith.constant 0 : i32
    %dma_start3A_199 = tpu.memref_slice %arg3[%add3A_193, %dma_start3A_194, %dma_start3A_198] : memref<8192x4x768xf32, #tpu.memory_space<hbm>> -> memref<64x1x768xf32, #tpu.memory_space<hbm>>
    %dma_start3A_200 = tpu.memref_squeeze %dma_start3A_199 : memref<64x1x768xf32, #tpu.memory_space<hbm>> -> memref<64x768xf32, #tpu.memory_space<hbm>>
    tpu.enqueue_dma source(%arg4 : memref<64x768xf32, #tpu.memory_space<vmem>>) target(%dma_start3A_200 : memref<64x768xf32, #tpu.memory_space<hbm>>) target_semaphore(%arg8 : memref<!tpu.dma_semaphore, #tpu.memory_space<semaphore_mem>>)
    %dma_wait3A_201 = arith.constant 0 : i32
    %dma_wait3A_202 = tpu.memref_slice %arg2[%add3A_156, %dma_wait3A_201] : memref<8192x768xf32, #tpu.memory_space<hbm>> -> memref<64x768xf32, #tpu.memory_space<hbm>>
    %dma_wait3A_203 = arith.constant 0 : i32
    %dma_wait3A_204 = tpu.memref_slice %arg2[%add3A_156, %dma_wait3A_203] : memref<8192x768xf32, #tpu.memory_space<hbm>> -> memref<64x768xf32, #tpu.memory_space<hbm>>
    tpu.wait_dma2 semaphore(%arg7 : memref<!tpu.dma_semaphore, #tpu.memory_space<semaphore_mem>>) src(%dma_wait3A_204 : memref<64x768xf32, #tpu.memory_space<hbm>>) dst(%arg5 : memref<64x768xf32, #tpu.memory_space<vmem>>)
    %add3A_205 = arith.constant 192 : i32
    %add3A_206 = arith.addi %mul3A_2, %add3A_205 : i32
    %dma_start3A_207 = arith.constant 0 : i32
    %dma_start3A_208 = arith.constant 0 : i32
    %dma_start3A_209 = tpu.memref_slice %arg3[%add3A_206, %dma_start3A_207, %dma_start3A_208] : memref<8192x4x768xf32, #tpu.memory_space<hbm>> -> memref<64x1x768xf32, #tpu.memory_space<hbm>>
    %dma_start3A_210 = tpu.memref_squeeze %dma_start3A_209 : memref<64x1x768xf32, #tpu.memory_space<hbm>> -> memref<64x768xf32, #tpu.memory_space<hbm>>
    %dma_start3A_211 = arith.constant 0 : i32
    %dma_start3A_212 = tpu.memref_slice %arg3[%add3A_206, %dma_start3A_207, %dma_start3A_211] : memref<8192x4x768xf32, #tpu.memory_space<hbm>> -> memref<64x1x768xf32, #tpu.memory_space<hbm>>
    %dma_start3A_213 = tpu.memref_squeeze %dma_start3A_212 : memref<64x1x768xf32, #tpu.memory_space<hbm>> -> memref<64x768xf32, #tpu.memory_space<hbm>>
    tpu.enqueue_dma source(%arg5 : memref<64x768xf32, #tpu.memory_space<vmem>>) target(%dma_start3A_213 : memref<64x768xf32, #tpu.memory_space<hbm>>) target_semaphore(%arg9 : memref<!tpu.dma_semaphore, #tpu.memory_space<semaphore_mem>>)
    %add3A_214 = arith.constant 192 : i32
    %add3A_215 = arith.addi %mul3A_2, %add3A_214 : i32
    %dma_start3A_216 = arith.constant 1 : i32
    %dma_start3A_217 = arith.constant 0 : i32
    %dma_start3A_218 = tpu.memref_slice %arg3[%add3A_215, %dma_start3A_216, %dma_start3A_217] : memref<8192x4x768xf32, #tpu.memory_space<hbm>> -> memref<64x1x768xf32, #tpu.memory_space<hbm>>
    %dma_start3A_219 = tpu.memref_squeeze %dma_start3A_218 : memref<64x1x768xf32, #tpu.memory_space<hbm>> -> memref<64x768xf32, #tpu.memory_space<hbm>>
    %dma_start3A_220 = arith.constant 0 : i32
    %dma_start3A_221 = tpu.memref_slice %arg3[%add3A_215, %dma_start3A_216, %dma_start3A_220] : memref<8192x4x768xf32, #tpu.memory_space<hbm>> -> memref<64x1x768xf32, #tpu.memory_space<hbm>>
    %dma_start3A_222 = tpu.memref_squeeze %dma_start3A_221 : memref<64x1x768xf32, #tpu.memory_space<hbm>> -> memref<64x768xf32, #tpu.memory_space<hbm>>
    tpu.enqueue_dma source(%arg5 : memref<64x768xf32, #tpu.memory_space<vmem>>) target(%dma_start3A_222 : memref<64x768xf32, #tpu.memory_space<hbm>>) target_semaphore(%arg9 : memref<!tpu.dma_semaphore, #tpu.memory_space<semaphore_mem>>)
    %add3A_223 = arith.constant 192 : i32
    %add3A_224 = arith.addi %mul3A_2, %add3A_223 : i32
    %dma_start3A_225 = arith.constant 2 : i32
    %dma_start3A_226 = arith.constant 0 : i32
    %dma_start3A_227 = tpu.memref_slice %arg3[%add3A_224, %dma_start3A_225, %dma_start3A_226] : memref<8192x4x768xf32, #tpu.memory_space<hbm>> -> memref<64x1x768xf32, #tpu.memory_space<hbm>>
    %dma_start3A_228 = tpu.memref_squeeze %dma_start3A_227 : memref<64x1x768xf32, #tpu.memory_space<hbm>> -> memref<64x768xf32, #tpu.memory_space<hbm>>
    %dma_start3A_229 = arith.constant 0 : i32
    %dma_start3A_230 = tpu.memref_slice %arg3[%add3A_224, %dma_start3A_225, %dma_start3A_229] : memref<8192x4x768xf32, #tpu.memory_space<hbm>> -> memref<64x1x768xf32, #tpu.memory_space<hbm>>
    %dma_start3A_231 = tpu.memref_squeeze %dma_start3A_230 : memref<64x1x768xf32, #tpu.memory_space<hbm>> -> memref<64x768xf32, #tpu.memory_space<hbm>>
    tpu.enqueue_dma source(%arg5 : memref<64x768xf32, #tpu.memory_space<vmem>>) target(%dma_start3A_231 : memref<64x768xf32, #tpu.memory_space<hbm>>) target_semaphore(%arg9 : memref<!tpu.dma_semaphore, #tpu.memory_space<semaphore_mem>>)
    %add3A_232 = arith.constant 192 : i32
    %add3A_233 = arith.addi %mul3A_2, %add3A_232 : i32
    %dma_start3A_234 = arith.constant 3 : i32
    %dma_start3A_235 = arith.constant 0 : i32
    %dma_start3A_236 = tpu.memref_slice %arg3[%add3A_233, %dma_start3A_234, %dma_start3A_235] : memref<8192x4x768xf32, #tpu.memory_space<hbm>> -> memref<64x1x768xf32, #tpu.memory_space<hbm>>
    %dma_start3A_237 = tpu.memref_squeeze %dma_start3A_236 : memref<64x1x768xf32, #tpu.memory_space<hbm>> -> memref<64x768xf32, #tpu.memory_space<hbm>>
    %dma_start3A_238 = arith.constant 0 : i32
    %dma_start3A_239 = tpu.memref_slice %arg3[%add3A_233, %dma_start3A_234, %dma_start3A_238] : memref<8192x4x768xf32, #tpu.memory_space<hbm>> -> memref<64x1x768xf32, #tpu.memory_space<hbm>>
    %dma_start3A_240 = tpu.memref_squeeze %dma_start3A_239 : memref<64x1x768xf32, #tpu.memory_space<hbm>> -> memref<64x768xf32, #tpu.memory_space<hbm>>
    tpu.enqueue_dma source(%arg5 : memref<64x768xf32, #tpu.memory_space<vmem>>) target(%dma_start3A_240 : memref<64x768xf32, #tpu.memory_space<hbm>>) target_semaphore(%arg9 : memref<!tpu.dma_semaphore, #tpu.memory_space<semaphore_mem>>)
    %dma_wait3A_241 = arith.constant 0 : i32
    %dma_wait3A_242 = arith.constant 0 : i32
    %dma_wait3A_243 = tpu.memref_slice %arg3[%add3A_166, %dma_wait3A_241, %dma_wait3A_242] : memref<8192x4x768xf32, #tpu.memory_space<hbm>> -> memref<64x1x768xf32, #tpu.memory_space<hbm>>
    %dma_wait3A_244 = tpu.memref_squeeze %dma_wait3A_243 : memref<64x1x768xf32, #tpu.memory_space<hbm>> -> memref<64x768xf32, #tpu.memory_space<hbm>>
    %dma_wait3A_245 = arith.constant 0 : i32
    %dma_wait3A_246 = tpu.memref_slice %arg3[%add3A_166, %dma_wait3A_241, %dma_wait3A_245] : memref<8192x4x768xf32, #tpu.memory_space<hbm>> -> memref<64x1x768xf32, #tpu.memory_space<hbm>>
    %dma_wait3A_247 = tpu.memref_squeeze %dma_wait3A_246 : memref<64x1x768xf32, #tpu.memory_space<hbm>> -> memref<64x768xf32, #tpu.memory_space<hbm>>
    tpu.wait_dma2 semaphore(%arg8 : memref<!tpu.dma_semaphore, #tpu.memory_space<semaphore_mem>>) src(%arg4 : memref<64x768xf32, #tpu.memory_space<vmem>>) dst(%dma_wait3A_247 : memref<64x768xf32, #tpu.memory_space<hbm>>)
    %dma_wait3A_248 = arith.constant 1 : i32
    %dma_wait3A_249 = arith.constant 0 : i32
    %dma_wait3A_250 = tpu.memref_slice %arg3[%add3A_175, %dma_wait3A_248, %dma_wait3A_249] : memref<8192x4x768xf32, #tpu.memory_space<hbm>> -> memref<64x1x768xf32, #tpu.memory_space<hbm>>
    %dma_wait3A_251 = tpu.memref_squeeze %dma_wait3A_250 : memref<64x1x768xf32, #tpu.memory_space<hbm>> -> memref<64x768xf32, #tpu.memory_space<hbm>>
    %dma_wait3A_252 = arith.constant 0 : i32
    %dma_wait3A_253 = tpu.memref_slice %arg3[%add3A_175, %dma_wait3A_248, %dma_wait3A_252] : memref<8192x4x768xf32, #tpu.memory_space<hbm>> -> memref<64x1x768xf32, #tpu.memory_space<hbm>>
    %dma_wait3A_254 = tpu.memref_squeeze %dma_wait3A_253 : memref<64x1x768xf32, #tpu.memory_space<hbm>> -> memref<64x768xf32, #tpu.memory_space<hbm>>
    tpu.wait_dma2 semaphore(%arg8 : memref<!tpu.dma_semaphore, #tpu.memory_space<semaphore_mem>>) src(%arg4 : memref<64x768xf32, #tpu.memory_space<vmem>>) dst(%dma_wait3A_254 : memref<64x768xf32, #tpu.memory_space<hbm>>)
    %dma_wait3A_255 = arith.constant 2 : i32
    %dma_wait3A_256 = arith.constant 0 : i32
    %dma_wait3A_257 = tpu.memref_slice %arg3[%add3A_184, %dma_wait3A_255, %dma_wait3A_256] : memref<8192x4x768xf32, #tpu.memory_space<hbm>> -> memref<64x1x768xf32, #tpu.memory_space<hbm>>
    %dma_wait3A_258 = tpu.memref_squeeze %dma_wait3A_257 : memref<64x1x768xf32, #tpu.memory_space<hbm>> -> memref<64x768xf32, #tpu.memory_space<hbm>>
    %dma_wait3A_259 = arith.constant 0 : i32
    %dma_wait3A_260 = tpu.memref_slice %arg3[%add3A_184, %dma_wait3A_255, %dma_wait3A_259] : memref<8192x4x768xf32, #tpu.memory_space<hbm>> -> memref<64x1x768xf32, #tpu.memory_space<hbm>>
    %dma_wait3A_261 = tpu.memref_squeeze %dma_wait3A_260 : memref<64x1x768xf32, #tpu.memory_space<hbm>> -> memref<64x768xf32, #tpu.memory_space<hbm>>
    tpu.wait_dma2 semaphore(%arg8 : memref<!tpu.dma_semaphore, #tpu.memory_space<semaphore_mem>>) src(%arg4 : memref<64x768xf32, #tpu.memory_space<vmem>>) dst(%dma_wait3A_261 : memref<64x768xf32, #tpu.memory_space<hbm>>)
    %dma_wait3A_262 = arith.constant 3 : i32
    %dma_wait3A_263 = arith.constant 0 : i32
    %dma_wait3A_264 = tpu.memref_slice %arg3[%add3A_193, %dma_wait3A_262, %dma_wait3A_263] : memref<8192x4x768xf32, #tpu.memory_space<hbm>> -> memref<64x1x768xf32, #tpu.memory_space<hbm>>
    %dma_wait3A_265 = tpu.memref_squeeze %dma_wait3A_264 : memref<64x1x768xf32, #tpu.memory_space<hbm>> -> memref<64x768xf32, #tpu.memory_space<hbm>>
    %dma_wait3A_266 = arith.constant 0 : i32
    %dma_wait3A_267 = tpu.memref_slice %arg3[%add3A_193, %dma_wait3A_262, %dma_wait3A_266] : memref<8192x4x768xf32, #tpu.memory_space<hbm>> -> memref<64x1x768xf32, #tpu.memory_space<hbm>>
    %dma_wait3A_268 = tpu.memref_squeeze %dma_wait3A_267 : memref<64x1x768xf32, #tpu.memory_space<hbm>> -> memref<64x768xf32, #tpu.memory_space<hbm>>
    tpu.wait_dma2 semaphore(%arg8 : memref<!tpu.dma_semaphore, #tpu.memory_space<semaphore_mem>>) src(%arg4 : memref<64x768xf32, #tpu.memory_space<vmem>>) dst(%dma_wait3A_268 : memref<64x768xf32, #tpu.memory_space<hbm>>)
    %dma_wait3A_269 = arith.constant 0 : i32
    %dma_wait3A_270 = arith.constant 0 : i32
    %dma_wait3A_271 = tpu.memref_slice %arg3[%add3A_206, %dma_wait3A_269, %dma_wait3A_270] : memref<8192x4x768xf32, #tpu.memory_space<hbm>> -> memref<64x1x768xf32, #tpu.memory_space<hbm>>
    %dma_wait3A_272 = tpu.memref_squeeze %dma_wait3A_271 : memref<64x1x768xf32, #tpu.memory_space<hbm>> -> memref<64x768xf32, #tpu.memory_space<hbm>>
    %dma_wait3A_273 = arith.constant 0 : i32
    %dma_wait3A_274 = tpu.memref_slice %arg3[%add3A_206, %dma_wait3A_269, %dma_wait3A_273] : memref<8192x4x768xf32, #tpu.memory_space<hbm>> -> memref<64x1x768xf32, #tpu.memory_space<hbm>>
    %dma_wait3A_275 = tpu.memref_squeeze %dma_wait3A_274 : memref<64x1x768xf32, #tpu.memory_space<hbm>> -> memref<64x768xf32, #tpu.memory_space<hbm>>
    tpu.wait_dma2 semaphore(%arg9 : memref<!tpu.dma_semaphore, #tpu.memory_space<semaphore_mem>>) src(%arg5 : memref<64x768xf32, #tpu.memory_space<vmem>>) dst(%dma_wait3A_275 : memref<64x768xf32, #tpu.memory_space<hbm>>)
    %dma_wait3A_276 = arith.constant 1 : i32
    %dma_wait3A_277 = arith.constant 0 : i32
    %dma_wait3A_278 = tpu.memref_slice %arg3[%add3A_215, %dma_wait3A_276, %dma_wait3A_277] : memref<8192x4x768xf32, #tpu.memory_space<hbm>> -> memref<64x1x768xf32, #tpu.memory_space<hbm>>
    %dma_wait3A_279 = tpu.memref_squeeze %dma_wait3A_278 : memref<64x1x768xf32, #tpu.memory_space<hbm>> -> memref<64x768xf32, #tpu.memory_space<hbm>>
    %dma_wait3A_280 = arith.constant 0 : i32
    %dma_wait3A_281 = tpu.memref_slice %arg3[%add3A_215, %dma_wait3A_276, %dma_wait3A_280] : memref<8192x4x768xf32, #tpu.memory_space<hbm>> -> memref<64x1x768xf32, #tpu.memory_space<hbm>>
    %dma_wait3A_282 = tpu.memref_squeeze %dma_wait3A_281 : memref<64x1x768xf32, #tpu.memory_space<hbm>> -> memref<64x768xf32, #tpu.memory_space<hbm>>
    tpu.wait_dma2 semaphore(%arg9 : memref<!tpu.dma_semaphore, #tpu.memory_space<semaphore_mem>>) src(%arg5 : memref<64x768xf32, #tpu.memory_space<vmem>>) dst(%dma_wait3A_282 : memref<64x768xf32, #tpu.memory_space<hbm>>)
    %dma_wait3A_283 = arith.constant 2 : i32
    %dma_wait3A_284 = arith.constant 0 : i32
    %dma_wait3A_285 = tpu.memref_slice %arg3[%add3A_224, %dma_wait3A_283, %dma_wait3A_284] : memref<8192x4x768xf32, #tpu.memory_space<hbm>> -> memref<64x1x768xf32, #tpu.memory_space<hbm>>
    %dma_wait3A_286 = tpu.memref_squeeze %dma_wait3A_285 : memref<64x1x768xf32, #tpu.memory_space<hbm>> -> memref<64x768xf32, #tpu.memory_space<hbm>>
    %dma_wait3A_287 = arith.constant 0 : i32
    %dma_wait3A_288 = tpu.memref_slice %arg3[%add3A_224, %dma_wait3A_283, %dma_wait3A_287] : memref<8192x4x768xf32, #tpu.memory_space<hbm>> -> memref<64x1x768xf32, #tpu.memory_space<hbm>>
    %dma_wait3A_289 = tpu.memref_squeeze %dma_wait3A_288 : memref<64x1x768xf32, #tpu.memory_space<hbm>> -> memref<64x768xf32, #tpu.memory_space<hbm>>
    tpu.wait_dma2 semaphore(%arg9 : memref<!tpu.dma_semaphore, #tpu.memory_space<semaphore_mem>>) src(%arg5 : memref<64x768xf32, #tpu.memory_space<vmem>>) dst(%dma_wait3A_289 : memref<64x768xf32, #tpu.memory_space<hbm>>)
    %dma_wait3A_290 = arith.constant 3 : i32
    %dma_wait3A_291 = arith.constant 0 : i32
    %dma_wait3A_292 = tpu.memref_slice %arg3[%add3A_233, %dma_wait3A_290, %dma_wait3A_291] : memref<8192x4x768xf32, #tpu.memory_space<hbm>> -> memref<64x1x768xf32, #tpu.memory_space<hbm>>
    %dma_wait3A_293 = tpu.memref_squeeze %dma_wait3A_292 : memref<64x1x768xf32, #tpu.memory_space<hbm>> -> memref<64x768xf32, #tpu.memory_space<hbm>>
    %dma_wait3A_294 = arith.constant 0 : i32
    %dma_wait3A_295 = tpu.memref_slice %arg3[%add3A_233, %dma_wait3A_290, %dma_wait3A_294] : memref<8192x4x768xf32, #tpu.memory_space<hbm>> -> memref<64x1x768xf32, #tpu.memory_space<hbm>>
    %dma_wait3A_296 = tpu.memref_squeeze %dma_wait3A_295 : memref<64x1x768xf32, #tpu.memory_space<hbm>> -> memref<64x768xf32, #tpu.memory_space<hbm>>
    tpu.wait_dma2 semaphore(%arg9 : memref<!tpu.dma_semaphore, #tpu.memory_space<semaphore_mem>>) src(%arg5 : memref<64x768xf32, #tpu.memory_space<vmem>>) dst(%dma_wait3A_296 : memref<64x768xf32, #tpu.memory_space<hbm>>)
    return
  }
}

</mosaic_0001>

<sc_bundles>
// kernel: kernel.3.cloned.1.call-start
scs
__scs_entry_jumppad:
0x0: {  	(pc) =	sbr.rel $0x88, $3  }
0x1: {  	(tag) =	ssettag $0x0;
	lr =	simm.s32 $0x1  }
0x2: {  	[smem:$0x3FA0] =	sst lr;
	_ =	strace $0xD0000000  }
0x3: {  	_ = 	snop  }
0x4: {  	_ = 	snop  }
0x5: {  	_ = 	snop  }
0x6: {  	_ = 	snop  }
0x7: {  	_ = 	snop  }
__scs_overlays_trampoline_lowered:
0x8: {  	[smem:$0x3FAF] =	sst s0  }
0x9: {  	[smem:$0x3FB0] =	sst s1  }
0xa: {  	[smem:$0x3FB1] =	sst s2  }
0xb: {  	[smem:$0x3FB2] =	sst s3  }
0xc: {  	[smem:$0x3FB3] =	sst s4  }
0xd: {  	[smem:$0x3FB4] =	sst s5  }
0xe: {  	[smem:$0x3FB5] =	sst s6  }
0xf: {  	[smem:$0x3FB6] =	sst s7  }
0x10: {  	[smem:$0x3FB7] =	sst s8  }
0x11: {  	[smem:$0x3FB8] =	sst s9;
	s0 =	simm.s32 @!p0 $0x0  }
0x12: {  	s1 =	sld [smem:$0x3F9E];
	s0 =	simm.s32 @p0 $0x1  }
0x13: {  	[smem:$0x3FB9] =	sst s0;
	s0 =	simm.s32 @!p1 $0x0  }
0x14: {  	s2 =	sld [smem:$0x3F9D];
	s0 =	simm.s32 @p1 $0x1  }
0x15: {  	[smem:$0x3FBA] =	sst s0;
	s0 =	simm.s32 @!p2 $0x0  }
0x16: {  	s3 =	sld [smem:$0x3FDB];
	s0 =	simm.s32 @p2 $0x1  }
0x17: {  	s4 =	simm.s32 $0x1BF5;
	[smem:$0x3FBC] =	sst s0  }
0x18: {  	s0 =	sld [smem:$0x3F9F];
	_ =	swait.ge [sflag:s4], $0x0  }
0x19: {  	s7 =	sld [smem:$0x3FA0]  }
0x1a: {  	s8 =	sadd.s32 $0xFFFFE003, lr  }
0x1b: {  	s9 =	sadd.s32 $0xFFFFFEF7, lr;
	s5 =	simm.s32 $0xFFFFFFFF;
	p2 =	slt.u32 s8, $0xFFFFF086  }
0x1c: {  	p1 =	slt.u32 s9, $0xF7A;
	s5 =	simm.s32 @!p2 $0x0  }
0x1d: {  	s5 =	simm.s32 @p1 $0x1;
	p0 =	seq.s32 s7, s2  }
0x1e: {  	s7 =	smul.u32 @!p0 $0xF7A, s2;
	p2 =	seq.s32 @!p0 s5, $0x0  }
0x1f: {  	s9 =	smul.u32 $0xF7A, s1;
	s8 =	simm.s32 @!p0 $0x1BF5;
	p2 =	por !p2, p0  }
0x20: {  	[sflag:s8] =	ssyncset.s32 @!p0 $0xFFFFF086;
	s6 =	sadd.s32 @!p0 s3, s7;
	s7 =	simm.s32 @!p0 $0x108  }
0x21: {  	s3 =	sadd.s32 s3, s9;
	s6 =	sadd.s32 @!p0 $0x88, s6;
	s7 =	simm.s32 @p2 $0x1082  }
0x22: {  	[simem:s7], [sflag:s8] =	dma.local @!p0 [hbm:s6], $0xF7A  }
0x23: {  	s9 =	sor.u32 $0xD0000000, s2;
	s6 =	simm.s32 $0x108;
	_ =	swait.ge @!p0 [sflag:s8], $0x0  }
0x24: {  	s3 =	sadd.s32 $0x88, s3;
	s6 =	simm.s32 @!p1 $0x1082;
	[sflag:s4] =	ssyncset.s32 $0xFFFFF086  }
0x25: {  	[simem:s6], [sflag:s4] =	dma.local [hbm:s3], $0xF7A  }
0x26: {  	[smem:$0x3FA0] =	sst s1;
	(tag) =	ssettag s2;
	_ =	strace s9  }
0x27: {  	s1 =	sld [smem:$0x3FB0]  }
0x28: {  	s2 =	sld [smem:$0x3FB1]  }
0x29: {  	s4 =	sld [smem:$0x3FB3]  }
0x2a: {  	p0 =	seq.s32 s5, $0x0;
	s5 =	sld [smem:$0x3FB4]  }
0x2b: {  	s6 =	sld [smem:$0x3FB5]  }
0x2c: {  	s7 =	sld [smem:$0x3FB6]  }
0x2d: {  	s3 =	simm.s32 $0x108;
	s8 =	sld [smem:$0x3FB7]  }
0x2e: {  	s3 =	simm.s32 @!p0 $0x1082;
	s9 =	sld [smem:$0x3FB8]  }
0x2f: {  	lr =	sadd.s32 s0, s3;
	s0 =	sld [smem:$0x3FAF]  }
0x30: {  	s3 =	sld [smem:$0x3FB2]  }
0x31: {  	[smem:$0x3FBB] =	sst s10  }
0x32: {  	s10 =	sld [smem:$0x3FB9];
	_ =	sdelay $0x3  }
0x33: {  	p0 =	seq.s32 s10, $0x1;
	s10 =	sld [smem:$0x3FBB];
	_ =	sdelay $0x3  }
0x34: {  	[smem:$0x3FBB] =	sst s10  }
0x35: {  	s10 =	sld [smem:$0x3FBA];
	_ =	sdelay $0x3  }
0x36: {  	p1 =	seq.s32 s10, $0x1;
	s10 =	sld [smem:$0x3FBB];
	_ =	sdelay $0x3  }
0x37: {  	[smem:$0x3FBB] =	sst s10  }
0x38: {  	s10 =	sld [smem:$0x3FBC]  }
0x39: {  	_ = 	snop;
	(pc) =	sbr.ind lr, $3  }
0x3a: {  	_ = 	snop  }
0x3b: {  	_ = 	snop  }
0x3c: {  	p2 =	seq.s32 s10, $0x1;
	s10 =	sld [smem:$0x3FBB]  }
0x3d: {  	_ =	shalt  }
0x3e: {  	_ =	shalt  }
0x3f: {  	_ =	shalt  }
0x40: {  	_ =	shalt  }
0x41: {  	_ =	shalt  }
0x42: {  	_ =	shalt  }
0x43: {  	_ =	shalt  }
0x44: {  	_ =	shalt  }
0x45: {  	_ =	shalt  }
0x46: {  	_ =	shalt  }
0x47: {  	_ =	shalt  }
0x48: {  	_ =	shalt  }
0x49: {  	_ =	shalt  }
0x4a: {  	_ =	shalt  }
0x4b: {  	_ =	shalt  }
0x4c: {  	_ =	shalt  }
0x4d: {  	_ =	shalt  }
0x4e: {  	_ =	shalt  }
0x4f: {  	_ =	shalt  }
0x50: {  	_ =	shalt  }
0x51: {  	_ =	shalt  }
0x52: {  	_ =	shalt  }
0x53: {  	_ =	shalt  }
0x54: {  	_ =	shalt  }
0x55: {  	_ =	shalt  }
0x56: {  	_ =	shalt  }
0x57: {  	_ =	shalt  }
0x58: {  	_ =	shalt  }
0x59: {  	_ =	shalt  }
0x5a: {  	_ =	shalt  }
0x5b: {  	_ =	shalt  }
0x5c: {  	_ =	shalt  }
0x5d: {  	_ =	shalt  }
0x5e: {  	_ =	shalt  }
0x5f: {  	_ =	shalt  }
0x60: {  	_ =	shalt  }
0x61: {  	_ =	shalt  }
0x62: {  	_ =	shalt  }
0x63: {  	_ =	shalt  }
0x64: {  	_ =	shalt  }
0x65: {  	_ =	shalt  }
0x66: {  	_ =	shalt  }
0x67: {  	_ =	shalt  }
0x68: {  	_ =	shalt  }
0x69: {  	_ =	shalt  }
0x6a: {  	_ =	shalt  }
0x6b: {  	_ =	shalt  }
0x6c: {  	_ =	shalt  }
0x6d: {  	_ =	shalt  }
0x6e: {  	_ =	shalt  }
0x6f: {  	_ =	shalt  }
0x70: {  	_ =	shalt  }
0x71: {  	_ =	shalt  }
0x72: {  	_ =	shalt  }
0x73: {  	_ =	shalt  }
0x74: {  	_ =	shalt  }
0x75: {  	_ =	shalt  }
0x76: {  	_ =	shalt  }
0x77: {  	_ =	shalt  }
0x78: {  	_ =	shalt  }
0x79: {  	_ =	shalt  }
0x7a: {  	_ =	shalt  }
0x7b: {  	_ =	shalt  }
0x7c: {  	_ =	shalt  }
0x7d: {  	_ =	shalt  }
0x7e: {  	_ =	shalt  }
0x7f: {  	_ =	shalt  }
0x80: {  	_ =	shalt  }
0x81: {  	_ =	shalt  }
0x82: {  	_ =	shalt  }
0x83: {  	_ =	shalt  }
0x84: {  	_ =	shalt  }
0x85: {  	_ =	shalt  }
0x86: {  	_ =	shalt  }
0x87: {  	_ =	shalt  }
.Lfunc_end0:
.L_simem_size_0:
called_computation_lowered:
.L_overlay_start_0:
0x88: {  	s2 =	sld [smem:$0x3FD9]  }
0x89: {  	s3 =	sld [smem:$0x3FFE];
	_ =	sdelay $0x1  }
0x8a: {  	s1 =	srdreg.scid  }
0x8b: {  	s0 =	sand.u32 $0x1, s1  }
0x8c: {  	s18 =	sshll.u32 s0, $0xA;
	s2 =	sadd.s32 s3, s2  }
0x8d: {  	s2 =	sadd.s32 s2, s18  }
0x8e: {  	[smem:$0x3FC7] =	sst s2  }
0x8f: {  	_ = 	snop  }
0x90: {  	s2 =	sld [smem:$0x3FC9]  }
0x91: {  	s19 =	sld [smem:$0x3FD0];
	(tm) =	ssettm $0x1  }
0x92: {  	s4 =	sld [smem:$0x3FFB];
	_ =	sdelay $0x3  }
0x93: {  	_ =	strace s4  }
0x94: {  	s4 =	sld [smem:$0x3FFC];
	_ =	sdelay $0x3  }
0x95: {  	_ =	strace s4  }
0x96: {  	s4 =	sld [smem:$0x3FFD];
	_ =	sdelay $0x3  }
0x97: {  	_ =	strace s4  }
0x98: {  	_ =	strace $0x8FFFFFFF  }
0x99: {  	s20 =	sld [smem:$0x3FDB];
	_ =	sdelay $0x1  }
0x9a: {  	s5 =	simm.s32 $_scs_section_size  }
0x9b: {  	s6 =	simm.s32 $_size__tile_overlayer_lowered;
	s7 =	simm.s32 $_tile_overlayer_lowered  }
0x9c: {  	s23 =	simm.s32 $0x1BFF;
	s22 =	sshll.u32 s7, $0x1;
	s4 =	sadd.s32 s5, s20  }
0x9d: {  	s8 =	simm.s32 $0x0;
	s21 =	sshll.u32 s6, $0x1;
	s6 =	sadd.s32 s22, s4  }
0x9e: {  	[timem:s8], [sflag:s23] =	dma.local [hbm:s6], s21  }
0x9f: {  	_ =	swait.ge [sflag:s23], s21  }
0xa0: {  	s5 =	ssub.s32 $0x0, s21;
	[sflag:s23] =	ssyncset.done $0x0  }
0xa1: {  	[sflag:s23] =	ssyncadd.s32 s5;
	_ =	sdelay $0x1  }
0xa2: {  	s24 =	simm.s32 $0x1B8B  }
0xa3: {  	_ =	swait.ge [sflag:s24], $0x1  }
0xa4: {  	[sflag:s24] =	ssyncset.done $0x0  }
0xa5: {  	s25 =	simm.s32 $0x1B8E;
	[sflag:s24] =	ssyncadd.s32 $0xFFFFFFFF  }
0xa6: {  	s26 =	simm.s32 $execute0_lowered;
	[smem:$0x3FD2] =	sst s25  }
0xa7: {  	s5 =	sshll.u32 s26, $0x1;
	_ =	strace $0x80000046;
	[dreg:$0x1] =	wrdreg $0xFFFFFFFF  }
0xa8: {  	s28 =	simm.s32 $_size_execute0_lowered;
	s4 =	sadd.s32 s4, s5;
	[dreg:$0x0] =	wrdreg $0x0  }
0xa9: {  	s5 =	sshll.u32 s28, $0x1;
	[dreg:$0x2] =	wrdreg s4  }
0xaa: {  	[dreg:$0x3] =	wrdreg s5  }
0xab: {  	[dreg:$0x4] =	wrdreg $0xC0  }
0xac: {  	_ =	task [dreg:s8], $0x5FFFF  }
0xad: {  	[dreg:$0x1] =	wrdreg $0xFFFFFFFF  }
0xae: {  	[dreg:$0x0] =	wrdreg $0x60  }
0xaf: {  	[dreg:$0x2] =	wrdreg s2  }
0xb0: {  	[dreg:$0x3] =	wrdreg s19  }
0xb1: {  	[dreg:$0x4] =	wrdreg $0x9  }
0xb2: {  	_ =	task.clear_ibuf [dreg:s8], $0x5FFFF;
	_ =	strace $0x90000046  }
0xb3: {  	s29 =	simm.s32 $0x9;
	_ =	strace $0x80000048  }
0xb4: {  	_ =	swait.ge [sflag:s29], $0x1  }
0xb5: {  	[sflag:s29] =	ssyncadd.s32 $0xFFFFFFFF  }
0xb6: {  	_ =	strace $0x90000048  }
0xb7: {  	_ =	sfence  }
0xb8: {  	s30 =	sld [smem:$0x0];
	_ =	sdelay $0x2  }
0xb9: {  	s31 =	sshll.u32 s1, $0xD;
	s1 =	sshrl.u32 s1, $0x2  }
0xba: {  	s3 =	sand.u32 $0x4000, s31;
	s1 =	sadd.s32 s1, s30  }
0xbb: {  	s0 =	sor.u32 s3, s0;
	s1 =	sshll.u32 s1, $0x11  }
0xbc: {  	s0 =	sor.u32 s1, s0  }
0xbd: {  	s0 =	sadd.s32 $0x8F2B, s0  }
0xbe: {  	[sflag:s0] =	ssyncadd.remote.s32 $0x1  }
0xbf: {  	_ =	sfence.sel $0xFFFF  }
0xc0: {  	[dreg:$0x0] =	wrdreg $0xFFFFFFFF;
	(pc) =	sbr.abs _section_cstart, $3  }
0xc1: {  	[dreg:$0x1] =	wrdreg $0xFFFFFFFF  }
0xc2: {  	_ =	task.clear_ibuf [dreg:s8], $0x2FFFF;
	_ =	strace $0x9FFFFFFF  }
0xc3: {  	(tm) =	ssettm $0x7FFFFFFF  }
tec
execute0_lowered:
.L_overlay_start_1:
0x0: {  	(tag) =	ssettag $0x1  }
0x1: {  	s0 =	srdreg.scid;
	s2 =	rddreg [dreg:$0x0]  }
0x2: {  	s1 =	stileid.u32;
	s3 =	rddreg [dreg:$0x1];
	s7 =	simm.s32 $0x0  }
0x3: {  	s28 =	simm.s32 $0xC00;
	s29 =	simm.s32 $0x3;
	s30 =	simm.s32 $0x2  }
0x4: {  	s31 =	simm.s32 $0x4;
	s0 =	sand.u32 $0x1, s0;
	s1 =	sshll.u32 s1, $0x1  }
0x5: {  	[smem:$0x7FF] =	sst s7;
	s9 =	sadd.s32 $0x10, s3;
	s21 =	sadd.s32 $0x20, s3  }
0x6: {  	s22 =	sadd.s32 $0x30, s3;
	s1 =	sor.u32 s0, s1;
	s0 =	ssub.s32 $0x2, s0  }
0x7: {  	_ =	strace $0x80000047;
	s4 =	sshll.u32 s1, $0x8;
	s5 =	smul.u32 $0x6000, s1  }
0x8: {  	s23 =	sshrl.u32 s0, $0x1;
	s1 =	smul.u32 $0x18000, s1;
	s8 =	sor.u32 $0x40, s4  }
0x9: {  	s0 =	ssub.s32 s0, s23;
	s12 =	sor.u32 $0x80, s4;
	s13 =	smul.u32 $0x180, s8  }
0xa: {  	s4 =	sor.u32 $0xC0, s4;
	s6 =	sshrl.u32 s8, $0x3;
	s18 =	smul.u32 $0x180, s12  }
0xb: {  	s5 =	sadd.s32 s2, s5;
	s11 =	sshrl.u32 s4, $0x3;
	s4 =	smul.u32 $0x180, s4  }
0xc: {  	s10 =	sshrl.u32 s12, $0x3;
	s7 =	sadd.s32 s1, s21;
	s6 =	smul.u32 $0x300, s6  }
0xd: {  	s8 =	sadd.s32 s1, s22;
	s23 =	smax.u32 s0, $0x1;
	s10 =	smul.u32 $0x300, s10  }
0xe: {  	[dreg:$0x3] =	wrdreg s5;
	s5 =	sadd.s32 s3, s1;
	s26 =	smul.u32 $0x300, s11  }
0xf: {  	s11 =	sadd.s32 s13, s9;
	s12 =	sadd.s32 s13, s21;
	s15 =	sadd.s32 s3, s18  }
0x10: {  	s16 =	sadd.s32 s18, s9;
	s17 =	sadd.s32 s18, s21;
	s18 =	sadd.s32 s18, s22  }
0x11: {  	s19 =	sadd.s32 s3, s4;
	s20 =	sadd.s32 s4, s9;
	s21 =	sadd.s32 s4, s21  }
0x12: {  	s24 =	sadd.s32 s2, s6;
	s6 =	sadd.s32 s1, s9;
	s25 =	sadd.s32 s2, s10  }
0x13: {  	s10 =	sadd.s32 s3, s13;
	s13 =	sadd.s32 s13, s22;
	s14 =	sadd.s32 s2, s26  }
0x14: {  	s22 =	sadd.s32 s4, s22;
	s26 =	simm.s32 $0x80;
	[dreg:$0x4] =	wrdreg s24  }
0x15: {  	s1 =	simm.s32 $0x0;
	[dreg:$0x5] =	wrdreg s25;
	s25 =	simm.s32 $0x1  }
.LBB2_1:
0x16: {  	s0 =	simm.s32 $0x0;
	s2 =	rddreg [dreg:$0x3]  }
0x17: {  	[tilespmem:s0], [sflag:$0x1] =	stream.linear.gather [hbm4b:s2+s0], $0xC000, $0x38;
	[tilespmem:$0x18000] =	vst v63  }
0x18: {  	s24 =	rddreg [dreg:$0x4];
	s3 =	simm.s32 $0xC000  }
0x19: {  	[tilespmem:s3], [sflag:$0x2] =	stream.linear.gather [hbm4b:s24+s0], $0xC000, $0x38;
	[tilespmem:$0x18000] =	vst v63  }
0x1a: {  	_ =	swait.ge [sflag:s25], $0xC000  }
0x1b: {  	[sflag:s25] =	ssyncset.done $0x0  }
0x1c: {  	s2 =	simm.s32 $0x0;
	[sflag:s25] =	ssyncadd.s32 $0xFFFF4000  }
0x1d: {  	[hbm4b:s5+s26] =	stream.strided.scatter [tilespmem:s2], [sflag:$0x3], $0x400, s28, s26, $0x38;
	[tilespmem:$0x18000] =	vst v63  }
0x1e: {  	s4 =	sadd.s32 $0x40, s5;
	s9 =	simm.s32 $0x800;
	s3 =	simm.s32 $0x400  }
0x1f: {  	[hbm4b:s4+s26] =	stream.strided.scatter [tilespmem:s3], [sflag:$0x3], $0x400, s28, s26, $0x38;
	[tilespmem:$0x18000] =	vst v63  }
0x20: {  	s24 =	sadd.s32 $0x80, s5;
	s0 =	simm.s32 $0x6000;
	s2 =	sadd.s32 $0xC00, s5  }
0x21: {  	[hbm4b:s24+s26] =	stream.strided.scatter [tilespmem:s9], [sflag:$0x3], $0x400, s28, s26, $0x38;
	[tilespmem:$0x18000] =	vst v63  }
0x22: {  	s3 =	simm.s32 $0xC00;
	s4 =	sadd.s32 $0xC0, s5;
	s9 =	simm.s32 $0x1000  }
0x23: {  	[hbm4b:s4+s26] =	stream.strided.scatter [tilespmem:s3], [sflag:$0x3], $0x400, s28, s26, $0x38;
	[tilespmem:$0x18000] =	vst v63  }
0x24: {  	s24 =	sadd.s32 $0x100, s5;
	s3 =	simm.s32 $0x1400;
	s4 =	sadd.s32 $0x140, s5  }
0x25: {  	[hbm4b:s24+s26] =	stream.strided.scatter [tilespmem:s9], [sflag:$0x3], $0x400, s28, s26, $0x38;
	[tilespmem:$0x18000] =	vst v63  }
.LBB2_2:
0x26: {  	[hbm4b:s4+s26] =	stream.strided.scatter [tilespmem:s3], [sflag:$0x3], $0x400, s28, s26, $0x38;
	[tilespmem:$0x18000] =	vst v63  }
0x27: {  	s3 =	sshra.s32 s0, $0x2;
	p0 =	sne.s32 s0, $0x2A000;
	s0 =	sadd.s32 $0x6000, s0  }
0x28: {  	[hbm4b:s2+s26] =	stream.strided.scatter [tilespmem:s3], [sflag:$0x3], $0x400, s28, s26, $0x38;
	[tilespmem:$0x18000] =	vst v63  }
0x29: {  	s9 =	sadd.s32 $0x40, s2;
	s4 =	sadd.s32 $0x400, s3  }
0x2a: {  	[hbm4b:s9+s26] =	stream.strided.scatter [tilespmem:s4], [sflag:$0x3], $0x400, s28, s26, $0x38;
	[tilespmem:$0x18000] =	vst v63  }
0x2b: {  	s4 =	sadd.s32 $0x800, s3;
	s9 =	sadd.s32 $0x80, s2  }
0x2c: {  	[hbm4b:s9+s26] =	stream.strided.scatter [tilespmem:s4], [sflag:$0x3], $0x400, s28, s26, $0x38;
	[tilespmem:$0x18000] =	vst v63  }
.Ltmp0:
0x2d: {  	s4 =	sadd.s32 $0xC00, s3;
	s9 =	sadd.s32 $0xC0, s2;
	(pc) =	sbr.rel @p0 .LBB2_2-.Ltmp0, $4  }
0x2e: {  	[hbm4b:s9+s26] =	stream.strided.scatter [tilespmem:s4], [sflag:$0x3], $0x400, s28, s26, $0x38;
	[tilespmem:$0x18000] =	vst v63  }
0x2f: {  	s4 =	sadd.s32 $0x1000, s3;
	s9 =	sadd.s32 $0x100, s2  }
0x30: {  	[hbm4b:s9+s26] =	stream.strided.scatter [tilespmem:s4], [sflag:$0x3], $0x400, s28, s26, $0x38;
	[tilespmem:$0x18000] =	vst v63  }
0x31: {  	s3 =	sadd.s32 $0x1400, s3;
	s4 =	sadd.s32 $0x140, s2;
	s2 =	sadd.s32 $0xC00, s2  }
0x32: {  	[hbm4b:s4+s26] =	stream.strided.scatter [tilespmem:s3], [sflag:$0x3], $0x400, s28, s26, $0x38;
	[tilespmem:$0x18000] =	vst v63  }
0x33: {  	s0 =	simm.s32 $0x0  }
0x34: {  	[hbm4b:s6+s26] =	stream.strided.scatter [tilespmem:s0], [sflag:$0x3], $0x400, s28, s26, $0x38;
	[tilespmem:$0x18000] =	vst v63  }
0x35: {  	s4 =	simm.s32 $0x400;
	s2 =	sadd.s32 $0x40, s6;
	s9 =	simm.s32 $0x800  }
0x36: {  	[hbm4b:s2+s26] =	stream.strided.scatter [tilespmem:s4], [sflag:$0x3], $0x400, s28, s26, $0x38;
	[tilespmem:$0x18000] =	vst v63  }
0x37: {  	s24 =	sadd.s32 $0x80, s6;
	s3 =	simm.s32 $0xC00;
	s0 =	simm.s32 $0x6000  }
0x38: {  	[hbm4b:s24+s26] =	stream.strided.scatter [tilespmem:s9], [sflag:$0x3], $0x400, s28, s26, $0x38;
	[tilespmem:$0x18000] =	vst v63  }
0x39: {  	s4 =	sadd.s32 $0xC0, s6;
	s2 =	sadd.s32 $0xC00, s6;
	s9 =	simm.s32 $0x1000  }
0x3a: {  	[hbm4b:s4+s26] =	stream.strided.scatter [tilespmem:s3], [sflag:$0x3], $0x400, s28, s26, $0x38;
	[tilespmem:$0x18000] =	vst v63  }
0x3b: {  	s24 =	sadd.s32 $0x100, s6;
	s3 =	simm.s32 $0x1400;
	s4 =	sadd.s32 $0x140, s6  }
0x3c: {  	[hbm4b:s24+s26] =	stream.strided.scatter [tilespmem:s9], [sflag:$0x3], $0x400, s28, s26, $0x38;
	[tilespmem:$0x18000] =	vst v63  }
.LBB2_4:
0x3d: {  	[hbm4b:s4+s26] =	stream.strided.scatter [tilespmem:s3], [sflag:$0x3], $0x400, s28, s26, $0x38;
	[tilespmem:$0x18000] =	vst v63  }
0x3e: {  	s3 =	sshra.s32 s0, $0x2;
	p0 =	sne.s32 s0, $0x2A000;
	s0 =	sadd.s32 $0x6000, s0  }
0x3f: {  	[hbm4b:s2+s26] =	stream.strided.scatter [tilespmem:s3], [sflag:$0x3], $0x400, s28, s26, $0x38;
	[tilespmem:$0x18000] =	vst v63  }
0x40: {  	s9 =	sadd.s32 $0x40, s2;
	s4 =	sadd.s32 $0x400, s3  }
0x41: {  	[hbm4b:s9+s26] =	stream.strided.scatter [tilespmem:s4], [sflag:$0x3], $0x400, s28, s26, $0x38;
	[tilespmem:$0x18000] =	vst v63  }
0x42: {  	s4 =	sadd.s32 $0x800, s3;
	s9 =	sadd.s32 $0x80, s2  }
0x43: {  	[hbm4b:s9+s26] =	stream.strided.scatter [tilespmem:s4], [sflag:$0x3], $0x400, s28, s26, $0x38;
	[tilespmem:$0x18000] =	vst v63  }
.Ltmp1:
0x44: {  	s4 =	sadd.s32 $0xC00, s3;
	s9 =	sadd.s32 $0xC0, s2;
	(pc) =	sbr.rel @p0 .LBB2_4-.Ltmp1, $4  }
0x45: {  	[hbm4b:s9+s26] =	stream.strided.scatter [tilespmem:s4], [sflag:$0x3], $0x400, s28, s26, $0x38;
	[tilespmem:$0x18000] =	vst v63  }
0x46: {  	s4 =	sadd.s32 $0x1000, s3;
	s9 =	sadd.s32 $0x100, s2  }
0x47: {  	[hbm4b:s9+s26] =	stream.strided.scatter [tilespmem:s4], [sflag:$0x3], $0x400, s28, s26, $0x38;
	[tilespmem:$0x18000] =	vst v63  }
0x48: {  	s3 =	sadd.s32 $0x1400, s3;
	s4 =	sadd.s32 $0x140, s2;
	s2 =	sadd.s32 $0xC00, s2  }
0x49: {  	[hbm4b:s4+s26] =	stream.strided.scatter [tilespmem:s3], [sflag:$0x3], $0x400, s28, s26, $0x38;
	[tilespmem:$0x18000] =	vst v63  }
0x4a: {  	s0 =	simm.s32 $0x0  }
0x4b: {  	[hbm4b:s7+s26] =	stream.strided.scatter [tilespmem:s0], [sflag:$0x3], $0x400, s28, s26, $0x38;
	[tilespmem:$0x18000] =	vst v63  }
0x4c: {  	s4 =	simm.s32 $0x400;
	s2 =	sadd.s32 $0x40, s7;
	s9 =	simm.s32 $0x800  }
0x4d: {  	[hbm4b:s2+s26] =	stream.strided.scatter [tilespmem:s4], [sflag:$0x3], $0x400, s28, s26, $0x38;
	[tilespmem:$0x18000] =	vst v63  }
0x4e: {  	s24 =	sadd.s32 $0x80, s7;
	s3 =	simm.s32 $0xC00;
	s0 =	simm.s32 $0x6000  }
0x4f: {  	[hbm4b:s24+s26] =	stream.strided.scatter [tilespmem:s9], [sflag:$0x3], $0x400, s28, s26, $0x38;
	[tilespmem:$0x18000] =	vst v63  }
0x50: {  	s4 =	sadd.s32 $0xC0, s7;
	s2 =	sadd.s32 $0xC00, s7;
	s9 =	simm.s32 $0x1000  }
0x51: {  	[hbm4b:s4+s26] =	stream.strided.scatter [tilespmem:s3], [sflag:$0x3], $0x400, s28, s26, $0x38;
	[tilespmem:$0x18000] =	vst v63  }
0x52: {  	s24 =	sadd.s32 $0x100, s7;
	s3 =	simm.s32 $0x1400;
	s4 =	sadd.s32 $0x140, s7  }
0x53: {  	[hbm4b:s24+s26] =	stream.strided.scatter [tilespmem:s9], [sflag:$0x3], $0x400, s28, s26, $0x38;
	[tilespmem:$0x18000] =	vst v63  }
.LBB2_6:
0x54: {  	[hbm4b:s4+s26] =	stream.strided.scatter [tilespmem:s3], [sflag:$0x3], $0x400, s28, s26, $0x38;
	[tilespmem:$0x18000] =	vst v63  }
0x55: {  	s3 =	sshra.s32 s0, $0x2;
	p0 =	sne.s32 s0, $0x2A000;
	s0 =	sadd.s32 $0x6000, s0  }
0x56: {  	[hbm4b:s2+s26] =	stream.strided.scatter [tilespmem:s3], [sflag:$0x3], $0x400, s28, s26, $0x38;
	[tilespmem:$0x18000] =	vst v63  }
0x57: {  	s9 =	sadd.s32 $0x40, s2;
	s4 =	sadd.s32 $0x400, s3  }
0x58: {  	[hbm4b:s9+s26] =	stream.strided.scatter [tilespmem:s4], [sflag:$0x3], $0x400, s28, s26, $0x38;
	[tilespmem:$0x18000] =	vst v63  }
0x59: {  	s4 =	sadd.s32 $0x800, s3;
	s9 =	sadd.s32 $0x80, s2  }
0x5a: {  	[hbm4b:s9+s26] =	stream.strided.scatter [tilespmem:s4], [sflag:$0x3], $0x400, s28, s26, $0x38;
	[tilespmem:$0x18000] =	vst v63  }
.Ltmp2:
0x5b: {  	s4 =	sadd.s32 $0xC00, s3;
	s9 =	sadd.s32 $0xC0, s2;
	(pc) =	sbr.rel @p0 .LBB2_6-.Ltmp2, $4  }
0x5c: {  	[hbm4b:s9+s26] =	stream.strided.scatter [tilespmem:s4], [sflag:$0x3], $0x400, s28, s26, $0x38;
	[tilespmem:$0x18000] =	vst v63  }
0x5d: {  	s4 =	sadd.s32 $0x1000, s3;
	s9 =	sadd.s32 $0x100, s2  }
0x5e: {  	[hbm4b:s9+s26] =	stream.strided.scatter [tilespmem:s4], [sflag:$0x3], $0x400, s28, s26, $0x38;
	[tilespmem:$0x18000] =	vst v63  }
0x5f: {  	s3 =	sadd.s32 $0x1400, s3;
	s4 =	sadd.s32 $0x140, s2;
	s2 =	sadd.s32 $0xC00, s2  }
0x60: {  	[hbm4b:s4+s26] =	stream.strided.scatter [tilespmem:s3], [sflag:$0x3], $0x400, s28, s26, $0x38;
	[tilespmem:$0x18000] =	vst v63  }
0x61: {  	s0 =	simm.s32 $0x0  }
0x62: {  	[hbm4b:s8+s26] =	stream.strided.scatter [tilespmem:s0], [sflag:$0x3], $0x400, s28, s26, $0x38;
	[tilespmem:$0x18000] =	vst v63  }
0x63: {  	s4 =	simm.s32 $0x400;
	s2 =	sadd.s32 $0x40, s8;
	s9 =	simm.s32 $0x800  }
0x64: {  	[hbm4b:s2+s26] =	stream.strided.scatter [tilespmem:s4], [sflag:$0x3], $0x400, s28, s26, $0x38;
	[tilespmem:$0x18000] =	vst v63  }
0x65: {  	s24 =	sadd.s32 $0x80, s8;
	s3 =	simm.s32 $0xC00;
	s0 =	simm.s32 $0x6000  }
0x66: {  	[hbm4b:s24+s26] =	stream.strided.scatter [tilespmem:s9], [sflag:$0x3], $0x400, s28, s26, $0x38;
	[tilespmem:$0x18000] =	vst v63  }
0x67: {  	s4 =	sadd.s32 $0xC0, s8;
	s2 =	sadd.s32 $0xC00, s8;
	s9 =	simm.s32 $0x1000  }
0x68: {  	[hbm4b:s4+s26] =	stream.strided.scatter [tilespmem:s3], [sflag:$0x3], $0x400, s28, s26, $0x38;
	[tilespmem:$0x18000] =	vst v63  }
0x69: {  	s24 =	sadd.s32 $0x100, s8;
	s3 =	simm.s32 $0x1400;
	s4 =	sadd.s32 $0x140, s8  }
0x6a: {  	[hbm4b:s24+s26] =	stream.strided.scatter [tilespmem:s9], [sflag:$0x3], $0x400, s28, s26, $0x38;
	[tilespmem:$0x18000] =	vst v63  }
.LBB2_8:
0x6b: {  	[hbm4b:s4+s26] =	stream.strided.scatter [tilespmem:s3], [sflag:$0x3], $0x400, s28, s26, $0x38;
	[tilespmem:$0x18000] =	vst v63  }
0x6c: {  	s3 =	sshra.s32 s0, $0x2;
	p0 =	sne.s32 s0, $0x2A000;
	s0 =	sadd.s32 $0x6000, s0  }
0x6d: {  	[hbm4b:s2+s26] =	stream.strided.scatter [tilespmem:s3], [sflag:$0x3], $0x400, s28, s26, $0x38;
	[tilespmem:$0x18000] =	vst v63  }
0x6e: {  	s9 =	sadd.s32 $0x40, s2;
	s4 =	sadd.s32 $0x400, s3  }
0x6f: {  	[hbm4b:s9+s26] =	stream.strided.scatter [tilespmem:s4], [sflag:$0x3], $0x400, s28, s26, $0x38;
	[tilespmem:$0x18000] =	vst v63  }
0x70: {  	s4 =	sadd.s32 $0x800, s3;
	s9 =	sadd.s32 $0x80, s2  }
0x71: {  	[hbm4b:s9+s26] =	stream.strided.scatter [tilespmem:s4], [sflag:$0x3], $0x400, s28, s26, $0x38;
	[tilespmem:$0x18000] =	vst v63  }
.Ltmp3:
0x72: {  	s4 =	sadd.s32 $0xC00, s3;
	s9 =	sadd.s32 $0xC0, s2;
	(pc) =	sbr.rel @p0 .LBB2_8-.Ltmp3, $4  }
0x73: {  	[hbm4b:s9+s26] =	stream.strided.scatter [tilespmem:s4], [sflag:$0x3], $0x400, s28, s26, $0x38;
	[tilespmem:$0x18000] =	vst v63  }
0x74: {  	s4 =	sadd.s32 $0x1000, s3;
	s9 =	sadd.s32 $0x100, s2  }
0x75: {  	[hbm4b:s9+s26] =	stream.strided.scatter [tilespmem:s4], [sflag:$0x3], $0x400, s28, s26, $0x38;
	[tilespmem:$0x18000] =	vst v63  }
0x76: {  	s3 =	sadd.s32 $0x1400, s3;
	s4 =	sadd.s32 $0x140, s2;
	s2 =	sadd.s32 $0xC00, s2  }
0x77: {  	[hbm4b:s4+s26] =	stream.strided.scatter [tilespmem:s3], [sflag:$0x3], $0x400, s28, s26, $0x38;
	[tilespmem:$0x18000] =	vst v63  }
0x78: {  	_ =	swait.ge [sflag:s29], $0xC000  }
0x79: {  	[sflag:s29] =	ssyncset.done $0x0  }
0x7a: {  	[sflag:s29] =	ssyncadd.s32 $0xFFFF4000  }
0x7b: {  	_ =	swait.ge [sflag:s29], $0xC000  }
0x7c: {  	[sflag:s29] =	ssyncset.done $0x0  }
0x7d: {  	[sflag:s29] =	ssyncadd.s32 $0xFFFF4000  }
0x7e: {  	_ =	swait.ge [sflag:s29], $0xC000  }
0x7f: {  	[sflag:s29] =	ssyncset.done $0x0  }
0x80: {  	[sflag:s29] =	ssyncadd.s32 $0xFFFF4000  }
0x81: {  	_ =	swait.ge [sflag:s29], $0xC000  }
0x82: {  	[sflag:s29] =	ssyncset.done $0x0  }
0x83: {  	s0 =	simm.s32 $0x0;
	s2 =	rddreg [dreg:$0x5];
	[sflag:s29] =	ssyncadd.s32 $0xFFFF4000  }
0x84: {  	[tilespmem:s0], [sflag:$0x1] =	stream.linear.gather [hbm4b:s2+s0], $0xC000, $0x38;
	[tilespmem:$0x18000] =	vst v63  }
0x85: {  	_ =	swait.ge [sflag:s30], $0xC000  }
0x86: {  	[sflag:s30] =	ssyncset.done $0x0  }
0x87: {  	s2 =	simm.s32 $0xC000;
	[sflag:s30] =	ssyncadd.s32 $0xFFFF4000  }
0x88: {  	[hbm4b:s10+s26] =	stream.strided.scatter [tilespmem:s2], [sflag:$0x4], $0x400, s28, s26, $0x38;
	[tilespmem:$0x18000] =	vst v63  }
0x89: {  	s3 =	simm.s32 $0xC400;
	s4 =	sadd.s32 $0x40, s10  }
0x8a: {  	[hbm4b:s4+s26] =	stream.strided.scatter [tilespmem:s3], [sflag:$0x4], $0x400, s28, s26, $0x38;
	[tilespmem:$0x18000] =	vst v63  }
0x8b: {  	s9 =	simm.s32 $0xC800;
	s24 =	sadd.s32 $0x80, s10  }
0x8c: {  	[hbm4b:s24+s26] =	stream.strided.scatter [tilespmem:s9], [sflag:$0x4], $0x400, s28, s26, $0x38;
	[tilespmem:$0x18000] =	vst v63  }
0x8d: {  	s0 =	simm.s32 $0x1800;
	s3 =	simm.s32 $0xCC00;
	s4 =	sadd.s32 $0xC0, s10  }
0x8e: {  	[hbm4b:s4+s26] =	stream.strided.scatter [tilespmem:s3], [sflag:$0x4], $0x400, s28, s26, $0x38;
	[tilespmem:$0x18000] =	vst v63  }
0x8f: {  	s2 =	sadd.s32 $0xC00, s10;
	s9 =	simm.s32 $0xD000;
	s24 =	sadd.s32 $0x100, s10  }
0x90: {  	[hbm4b:s24+s26] =	stream.strided.scatter [tilespmem:s9], [sflag:$0x4], $0x400, s28, s26, $0x38;
	[tilespmem:$0x18000] =	vst v63  }
0x91: {  	s3 =	simm.s32 $0xC000;
	s4 =	simm.s32 $0xD400;
	s9 =	sadd.s32 $0x140, s10  }
.LBB2_10:
0x92: {  	[hbm4b:s9+s26] =	stream.strided.scatter [tilespmem:s4], [sflag:$0x4], $0x400, s28, s26, $0x38;
	[tilespmem:$0x18000] =	vst v63  }
0x93: {  	s4 =	smov.u32 s0;
	s0 =	smov.u32 s3  }
0x94: {  	s24 =	sadd.s32 $0x6000, s3;
	s0 =	sshra.s32 s0, $0x2;
	s9 =	sadd.s32 $0xC000, s4  }
0x95: {  	[hbm4b:s2+s26] =	stream.strided.scatter [tilespmem:s9], [sflag:$0x4], $0x400, s28, s26, $0x38;
	[tilespmem:$0x18000] =	vst v63  }
0x96: {  	p0 =	sne.s32 s3, $0x2A000;
	s3 =	sadd.s32 $0xC400, s4;
	s9 =	sadd.s32 $0x40, s2  }
0x97: {  	[hbm4b:s9+s26] =	stream.strided.scatter [tilespmem:s3], [sflag:$0x4], $0x400, s28, s26, $0x38;
	[tilespmem:$0x18000] =	vst v63  }
0x98: {  	s3 =	sadd.s32 $0xC800, s4;
	s9 =	sadd.s32 $0x80, s2  }
0x99: {  	[hbm4b:s9+s26] =	stream.strided.scatter [tilespmem:s3], [sflag:$0x4], $0x400, s28, s26, $0x38;
	[tilespmem:$0x18000] =	vst v63  }
.Ltmp4:
0x9a: {  	s3 =	sadd.s32 $0xCC00, s4;
	s9 =	sadd.s32 $0xC0, s2;
	(pc) =	sbr.rel @p0 .LBB2_10-.Ltmp4, $4  }
0x9b: {  	[hbm4b:s9+s26] =	stream.strided.scatter [tilespmem:s3], [sflag:$0x4], $0x400, s28, s26, $0x38;
	[tilespmem:$0x18000] =	vst v63  }
0x9c: {  	s3 =	sadd.s32 $0xD000, s4;
	s9 =	sadd.s32 $0x100, s2;
	s4 =	sadd.s32 $0xD400, s4  }
0x9d: {  	[hbm4b:s9+s26] =	stream.strided.scatter [tilespmem:s3], [sflag:$0x4], $0x400, s28, s26, $0x38;
	[tilespmem:$0x18000] =	vst v63  }
0x9e: {  	s9 =	sadd.s32 $0x140, s2;
	s2 =	sadd.s32 $0xC00, s2;
	s3 =	smov.u32 s24  }
0x9f: {  	[hbm4b:s9+s26] =	stream.strided.scatter [tilespmem:s4], [sflag:$0x4], $0x400, s28, s26, $0x38;
	[tilespmem:$0x18000] =	vst v63  }
0xa0: {  	s3 =	sadd.s32 $0xC000, s0  }
0xa1: {  	[hbm4b:s2+s26] =	stream.strided.scatter [tilespmem:s3], [sflag:$0x4], $0x400, s28, s26, $0x38;
	[tilespmem:$0x18000] =	vst v63  }
0xa2: {  	s9 =	sadd.s32 $0xC400, s0;
	s24 =	sadd.s32 $0x40, s2  }
0xa3: {  	[hbm4b:s24+s26] =	stream.strided.scatter [tilespmem:s9], [sflag:$0x4], $0x400, s28, s26, $0x38;
	[tilespmem:$0x18000] =	vst v63  }
0xa4: {  	s9 =	sadd.s32 $0xC800, s0;
	s24 =	sadd.s32 $0x80, s2  }
0xa5: {  	[hbm4b:s24+s26] =	stream.strided.scatter [tilespmem:s9], [sflag:$0x4], $0x400, s28, s26, $0x38;
	[tilespmem:$0x18000] =	vst v63  }
0xa6: {  	s9 =	sadd.s32 $0xCC00, s0;
	s24 =	sadd.s32 $0xC0, s2  }
0xa7: {  	[hbm4b:s24+s26] =	stream.strided.scatter [tilespmem:s9], [sflag:$0x4], $0x400, s28, s26, $0x38;
	[tilespmem:$0x18000] =	vst v63  }
0xa8: {  	s9 =	sadd.s32 $0xD000, s0;
	s24 =	sadd.s32 $0x100, s2  }
0xa9: {  	[hbm4b:s24+s26] =	stream.strided.scatter [tilespmem:s9], [sflag:$0x4], $0x400, s28, s26, $0x38;
	[tilespmem:$0x18000] =	vst v63  }
0xaa: {  	s9 =	sadd.s32 $0xD400, s0;
	s24 =	sadd.s32 $0x140, s2  }
0xab: {  	[hbm4b:s24+s26] =	stream.strided.scatter [tilespmem:s9], [sflag:$0x4], $0x400, s28, s26, $0x38;
	[tilespmem:$0x18000] =	vst v63  }
0xac: {  	s2 =	simm.s32 $0xC000  }
0xad: {  	[hbm4b:s11+s26] =	stream.strided.scatter [tilespmem:s2], [sflag:$0x4], $0x400, s28, s26, $0x38;
	[tilespmem:$0x18000] =	vst v63  }
0xae: {  	s4 =	sadd.s32 $0x40, s11;
	s3 =	simm.s32 $0xC400  }
0xaf: {  	[hbm4b:s4+s26] =	stream.strided.scatter [tilespmem:s3], [sflag:$0x4], $0x400, s28, s26, $0x38;
	[tilespmem:$0x18000] =	vst v63  }
0xb0: {  	s9 =	simm.s32 $0xC800;
	s24 =	sadd.s32 $0x80, s11  }
0xb1: {  	[hbm4b:s24+s26] =	stream.strided.scatter [tilespmem:s9], [sflag:$0x4], $0x400, s28, s26, $0x38;
	[tilespmem:$0x18000] =	vst v63  }
0xb2: {  	s0 =	simm.s32 $0x1800;
	s3 =	simm.s32 $0xCC00;
	s4 =	sadd.s32 $0xC0, s11  }
0xb3: {  	[hbm4b:s4+s26] =	stream.strided.scatter [tilespmem:s3], [sflag:$0x4], $0x400, s28, s26, $0x38;
	[tilespmem:$0x18000] =	vst v63  }
0xb4: {  	s2 =	sadd.s32 $0xC00, s11;
	s9 =	simm.s32 $0xD000;
	s24 =	sadd.s32 $0x100, s11  }
0xb5: {  	[hbm4b:s24+s26] =	stream.strided.scatter [tilespmem:s9], [sflag:$0x4], $0x400, s28, s26, $0x38;
	[tilespmem:$0x18000] =	vst v63  }
0xb6: {  	s3 =	simm.s32 $0xC000;
	s4 =	simm.s32 $0xD400;
	s9 =	sadd.s32 $0x140, s11  }
.LBB2_12:
0xb7: {  	[hbm4b:s9+s26] =	stream.strided.scatter [tilespmem:s4], [sflag:$0x4], $0x400, s28, s26, $0x38;
	[tilespmem:$0x18000] =	vst v63  }
0xb8: {  	s4 =	smov.u32 s0;
	s0 =	smov.u32 s3  }
0xb9: {  	s24 =	sadd.s32 $0x6000, s3;
	s0 =	sshra.s32 s0, $0x2;
	s9 =	sadd.s32 $0xC000, s4  }
0xba: {  	[hbm4b:s2+s26] =	stream.strided.scatter [tilespmem:s9], [sflag:$0x4], $0x400, s28, s26, $0x38;
	[tilespmem:$0x18000] =	vst v63  }
0xbb: {  	p0 =	sne.s32 s3, $0x2A000;
	s3 =	sadd.s32 $0xC400, s4;
	s9 =	sadd.s32 $0x40, s2  }
0xbc: {  	[hbm4b:s9+s26] =	stream.strided.scatter [tilespmem:s3], [sflag:$0x4], $0x400, s28, s26, $0x38;
	[tilespmem:$0x18000] =	vst v63  }
0xbd: {  	s3 =	sadd.s32 $0xC800, s4;
	s9 =	sadd.s32 $0x80, s2  }
0xbe: {  	[hbm4b:s9+s26] =	stream.strided.scatter [tilespmem:s3], [sflag:$0x4], $0x400, s28, s26, $0x38;
	[tilespmem:$0x18000] =	vst v63  }
.Ltmp5:
0xbf: {  	s3 =	sadd.s32 $0xCC00, s4;
	s9 =	sadd.s32 $0xC0, s2;
	(pc) =	sbr.rel @p0 .LBB2_12-.Ltmp5, $4  }
0xc0: {  	[hbm4b:s9+s26] =	stream.strided.scatter [tilespmem:s3], [sflag:$0x4], $0x400, s28, s26, $0x38;
	[tilespmem:$0x18000] =	vst v63  }
0xc1: {  	s3 =	sadd.s32 $0xD000, s4;
	s9 =	sadd.s32 $0x100, s2;
	s4 =	sadd.s32 $0xD400, s4  }
0xc2: {  	[hbm4b:s9+s26] =	stream.strided.scatter [tilespmem:s3], [sflag:$0x4], $0x400, s28, s26, $0x38;
	[tilespmem:$0x18000] =	vst v63  }
0xc3: {  	s9 =	sadd.s32 $0x140, s2;
	s2 =	sadd.s32 $0xC00, s2;
	s3 =	smov.u32 s24  }
0xc4: {  	[hbm4b:s9+s26] =	stream.strided.scatter [tilespmem:s4], [sflag:$0x4], $0x400, s28, s26, $0x38;
	[tilespmem:$0x18000] =	vst v63  }
0xc5: {  	s3 =	sadd.s32 $0xC000, s0  }
0xc6: {  	[hbm4b:s2+s26] =	stream.strided.scatter [tilespmem:s3], [sflag:$0x4], $0x400, s28, s26, $0x38;
	[tilespmem:$0x18000] =	vst v63  }
0xc7: {  	s9 =	sadd.s32 $0xC400, s0;
	s24 =	sadd.s32 $0x40, s2  }
0xc8: {  	[hbm4b:s24+s26] =	stream.strided.scatter [tilespmem:s9], [sflag:$0x4], $0x400, s28, s26, $0x38;
	[tilespmem:$0x18000] =	vst v63  }
0xc9: {  	s9 =	sadd.s32 $0xC800, s0;
	s24 =	sadd.s32 $0x80, s2  }
0xca: {  	[hbm4b:s24+s26] =	stream.strided.scatter [tilespmem:s9], [sflag:$0x4], $0x400, s28, s26, $0x38;
	[tilespmem:$0x18000] =	vst v63  }
0xcb: {  	s9 =	sadd.s32 $0xCC00, s0;
	s24 =	sadd.s32 $0xC0, s2  }
0xcc: {  	[hbm4b:s24+s26] =	stream.strided.scatter [tilespmem:s9], [sflag:$0x4], $0x400, s28, s26, $0x38;
	[tilespmem:$0x18000] =	vst v63  }
0xcd: {  	s9 =	sadd.s32 $0xD000, s0;
	s24 =	sadd.s32 $0x100, s2  }
0xce: {  	[hbm4b:s24+s26] =	stream.strided.scatter [tilespmem:s9], [sflag:$0x4], $0x400, s28, s26, $0x38;
	[tilespmem:$0x18000] =	vst v63  }
0xcf: {  	s9 =	sadd.s32 $0xD400, s0;
	s24 =	sadd.s32 $0x140, s2  }
0xd0: {  	[hbm4b:s24+s26] =	stream.strided.scatter [tilespmem:s9], [sflag:$0x4], $0x400, s28, s26, $0x38;
	[tilespmem:$0x18000] =	vst v63  }
0xd1: {  	s2 =	simm.s32 $0xC000  }
0xd2: {  	[hbm4b:s12+s26] =	stream.strided.scatter [tilespmem:s2], [sflag:$0x4], $0x400, s28, s26, $0x38;
	[tilespmem:$0x18000] =	vst v63  }
0xd3: {  	s4 =	sadd.s32 $0x40, s12;
	s3 =	simm.s32 $0xC400  }
0xd4: {  	[hbm4b:s4+s26] =	stream.strided.scatter [tilespmem:s3], [sflag:$0x4], $0x400, s28, s26, $0x38;
	[tilespmem:$0x18000] =	vst v63  }
0xd5: {  	s9 =	simm.s32 $0xC800;
	s24 =	sadd.s32 $0x80, s12  }
0xd6: {  	[hbm4b:s24+s26] =	stream.strided.scatter [tilespmem:s9], [sflag:$0x4], $0x400, s28, s26, $0x38;
	[tilespmem:$0x18000] =	vst v63  }
0xd7: {  	s0 =	simm.s32 $0x1800;
	s3 =	simm.s32 $0xCC00;
	s4 =	sadd.s32 $0xC0, s12  }
0xd8: {  	[hbm4b:s4+s26] =	stream.strided.scatter [tilespmem:s3], [sflag:$0x4], $0x400, s28, s26, $0x38;
	[tilespmem:$0x18000] =	vst v63  }
0xd9: {  	s2 =	sadd.s32 $0xC00, s12;
	s9 =	simm.s32 $0xD000;
	s24 =	sadd.s32 $0x100, s12  }
0xda: {  	[hbm4b:s24+s26] =	stream.strided.scatter [tilespmem:s9], [sflag:$0x4], $0x400, s28, s26, $0x38;
	[tilespmem:$0x18000] =	vst v63  }
0xdb: {  	s3 =	simm.s32 $0xC000;
	s4 =	simm.s32 $0xD400;
	s9 =	sadd.s32 $0x140, s12  }
.LBB2_14:
0xdc: {  	[hbm4b:s9+s26] =	stream.strided.scatter [tilespmem:s4], [sflag:$0x4], $0x400, s28, s26, $0x38;
	[tilespmem:$0x18000] =	vst v63  }
0xdd: {  	s4 =	smov.u32 s0;
	s0 =	smov.u32 s3  }
0xde: {  	s24 =	sadd.s32 $0x6000, s3;
	s0 =	sshra.s32 s0, $0x2;
	s9 =	sadd.s32 $0xC000, s4  }
0xdf: {  	[hbm4b:s2+s26] =	stream.strided.scatter [tilespmem:s9], [sflag:$0x4], $0x400, s28, s26, $0x38;
	[tilespmem:$0x18000] =	vst v63  }
0xe0: {  	p0 =	sne.s32 s3, $0x2A000;
	s3 =	sadd.s32 $0xC400, s4;
	s9 =	sadd.s32 $0x40, s2  }
0xe1: {  	[hbm4b:s9+s26] =	stream.strided.scatter [tilespmem:s3], [sflag:$0x4], $0x400, s28, s26, $0x38;
	[tilespmem:$0x18000] =	vst v63  }
0xe2: {  	s3 =	sadd.s32 $0xC800, s4;
	s9 =	sadd.s32 $0x80, s2  }
0xe3: {  	[hbm4b:s9+s26] =	stream.strided.scatter [tilespmem:s3], [sflag:$0x4], $0x400, s28, s26, $0x38;
	[tilespmem:$0x18000] =	vst v63  }
.Ltmp6:
0xe4: {  	s3 =	sadd.s32 $0xCC00, s4;
	s9 =	sadd.s32 $0xC0, s2;
	(pc) =	sbr.rel @p0 .LBB2_14-.Ltmp6, $4  }
0xe5: {  	[hbm4b:s9+s26] =	stream.strided.scatter [tilespmem:s3], [sflag:$0x4], $0x400, s28, s26, $0x38;
	[tilespmem:$0x18000] =	vst v63  }
0xe6: {  	s3 =	sadd.s32 $0xD000, s4;
	s9 =	sadd.s32 $0x100, s2;
	s4 =	sadd.s32 $0xD400, s4  }
0xe7: {  	[hbm4b:s9+s26] =	stream.strided.scatter [tilespmem:s3], [sflag:$0x4], $0x400, s28, s26, $0x38;
	[tilespmem:$0x18000] =	vst v63  }
0xe8: {  	s9 =	sadd.s32 $0x140, s2;
	s2 =	sadd.s32 $0xC00, s2;
	s3 =	smov.u32 s24  }
0xe9: {  	[hbm4b:s9+s26] =	stream.strided.scatter [tilespmem:s4], [sflag:$0x4], $0x400, s28, s26, $0x38;
	[tilespmem:$0x18000] =	vst v63  }
0xea: {  	s3 =	sadd.s32 $0xC000, s0  }
0xeb: {  	[hbm4b:s2+s26] =	stream.strided.scatter [tilespmem:s3], [sflag:$0x4], $0x400, s28, s26, $0x38;
	[tilespmem:$0x18000] =	vst v63  }
0xec: {  	s9 =	sadd.s32 $0xC400, s0;
	s24 =	sadd.s32 $0x40, s2  }
0xed: {  	[hbm4b:s24+s26] =	stream.strided.scatter [tilespmem:s9], [sflag:$0x4], $0x400, s28, s26, $0x38;
	[tilespmem:$0x18000] =	vst v63  }
0xee: {  	s9 =	sadd.s32 $0xC800, s0;
	s24 =	sadd.s32 $0x80, s2  }
0xef: {  	[hbm4b:s24+s26] =	stream.strided.scatter [tilespmem:s9], [sflag:$0x4], $0x400, s28, s26, $0x38;
	[tilespmem:$0x18000] =	vst v63  }
0xf0: {  	s9 =	sadd.s32 $0xCC00, s0;
	s24 =	sadd.s32 $0xC0, s2  }
0xf1: {  	[hbm4b:s24+s26] =	stream.strided.scatter [tilespmem:s9], [sflag:$0x4], $0x400, s28, s26, $0x38;
	[tilespmem:$0x18000] =	vst v63  }
0xf2: {  	s9 =	sadd.s32 $0xD000, s0;
	s24 =	sadd.s32 $0x100, s2  }
0xf3: {  	[hbm4b:s24+s26] =	stream.strided.scatter [tilespmem:s9], [sflag:$0x4], $0x400, s28, s26, $0x38;
	[tilespmem:$0x18000] =	vst v63  }
0xf4: {  	s9 =	sadd.s32 $0xD400, s0;
	s24 =	sadd.s32 $0x140, s2  }
0xf5: {  	[hbm4b:s24+s26] =	stream.strided.scatter [tilespmem:s9], [sflag:$0x4], $0x400, s28, s26, $0x38;
	[tilespmem:$0x18000] =	vst v63  }
0xf6: {  	s2 =	simm.s32 $0xC000  }
0xf7: {  	[hbm4b:s13+s26] =	stream.strided.scatter [tilespmem:s2], [sflag:$0x4], $0x400, s28, s26, $0x38;
	[tilespmem:$0x18000] =	vst v63  }
0xf8: {  	s4 =	sadd.s32 $0x40, s13;
	s3 =	simm.s32 $0xC400  }
0xf9: {  	[hbm4b:s4+s26] =	stream.strided.scatter [tilespmem:s3], [sflag:$0x4], $0x400, s28, s26, $0x38;
	[tilespmem:$0x18000] =	vst v63  }
0xfa: {  	s9 =	simm.s32 $0xC800;
	s24 =	sadd.s32 $0x80, s13  }
0xfb: {  	[hbm4b:s24+s26] =	stream.strided.scatter [tilespmem:s9], [sflag:$0x4], $0x400, s28, s26, $0x38;
	[tilespmem:$0x18000] =	vst v63  }
0xfc: {  	s0 =	simm.s32 $0x1800;
	s3 =	simm.s32 $0xCC00;
	s4 =	sadd.s32 $0xC0, s13  }
0xfd: {  	[hbm4b:s4+s26] =	stream.strided.scatter [tilespmem:s3], [sflag:$0x4], $0x400, s28, s26, $0x38;
	[tilespmem:$0x18000] =	vst v63  }
0xfe: {  	s2 =	sadd.s32 $0xC00, s13;
	s9 =	simm.s32 $0xD000;
	s24 =	sadd.s32 $0x100, s13  }
0xff: {  	[hbm4b:s24+s26] =	stream.strided.scatter [tilespmem:s9], [sflag:$0x4], $0x400, s28, s26, $0x38;
	[tilespmem:$0x18000] =	vst v63  }
0x100: {  	s3 =	simm.s32 $0xC000;
	s4 =	simm.s32 $0xD400;
	s9 =	sadd.s32 $0x140, s13  }
.LBB2_16:
0x101: {  	[hbm4b:s9+s26] =	stream.strided.scatter [tilespmem:s4], [sflag:$0x4], $0x400, s28, s26, $0x38;
	[tilespmem:$0x18000] =	vst v63  }
0x102: {  	s4 =	smov.u32 s0;
	s0 =	smov.u32 s3  }
0x103: {  	s24 =	sadd.s32 $0x6000, s3;
	s0 =	sshra.s32 s0, $0x2;
	s9 =	sadd.s32 $0xC000, s4  }
0x104: {  	[hbm4b:s2+s26] =	stream.strided.scatter [tilespmem:s9], [sflag:$0x4], $0x400, s28, s26, $0x38;
	[tilespmem:$0x18000] =	vst v63  }
0x105: {  	p0 =	sne.s32 s3, $0x2A000;
	s3 =	sadd.s32 $0xC400, s4;
	s9 =	sadd.s32 $0x40, s2  }
0x106: {  	[hbm4b:s9+s26] =	stream.strided.scatter [tilespmem:s3], [sflag:$0x4], $0x400, s28, s26, $0x38;
	[tilespmem:$0x18000] =	vst v63  }
0x107: {  	s3 =	sadd.s32 $0xC800, s4;
	s9 =	sadd.s32 $0x80, s2  }
0x108: {  	[hbm4b:s9+s26] =	stream.strided.scatter [tilespmem:s3], [sflag:$0x4], $0x400, s28, s26, $0x38;
	[tilespmem:$0x18000] =	vst v63  }
.Ltmp7:
0x109: {  	s3 =	sadd.s32 $0xCC00, s4;
	s9 =	sadd.s32 $0xC0, s2;
	(pc) =	sbr.rel @p0 .LBB2_16-.Ltmp7, $4  }
0x10a: {  	[hbm4b:s9+s26] =	stream.strided.scatter [tilespmem:s3], [sflag:$0x4], $0x400, s28, s26, $0x38;
	[tilespmem:$0x18000] =	vst v63  }
0x10b: {  	s3 =	sadd.s32 $0xD000, s4;
	s9 =	sadd.s32 $0x100, s2;
	s4 =	sadd.s32 $0xD400, s4  }
0x10c: {  	[hbm4b:s9+s26] =	stream.strided.scatter [tilespmem:s3], [sflag:$0x4], $0x400, s28, s26, $0x38;
	[tilespmem:$0x18000] =	vst v63  }
0x10d: {  	s9 =	sadd.s32 $0x140, s2;
	s2 =	sadd.s32 $0xC00, s2;
	s3 =	smov.u32 s24  }
0x10e: {  	[hbm4b:s9+s26] =	stream.strided.scatter [tilespmem:s4], [sflag:$0x4], $0x400, s28, s26, $0x38;
	[tilespmem:$0x18000] =	vst v63  }
0x10f: {  	s3 =	sadd.s32 $0xC000, s0  }
0x110: {  	[hbm4b:s2+s26] =	stream.strided.scatter [tilespmem:s3], [sflag:$0x4], $0x400, s28, s26, $0x38;
	[tilespmem:$0x18000] =	vst v63  }
0x111: {  	s9 =	sadd.s32 $0xC400, s0;
	s24 =	sadd.s32 $0x40, s2  }
0x112: {  	[hbm4b:s24+s26] =	stream.strided.scatter [tilespmem:s9], [sflag:$0x4], $0x400, s28, s26, $0x38;
	[tilespmem:$0x18000] =	vst v63  }
0x113: {  	s9 =	sadd.s32 $0xC800, s0;
	s24 =	sadd.s32 $0x80, s2  }
0x114: {  	[hbm4b:s24+s26] =	stream.strided.scatter [tilespmem:s9], [sflag:$0x4], $0x400, s28, s26, $0x38;
	[tilespmem:$0x18000] =	vst v63  }
0x115: {  	s9 =	sadd.s32 $0xCC00, s0;
	s24 =	sadd.s32 $0xC0, s2  }
0x116: {  	[hbm4b:s24+s26] =	stream.strided.scatter [tilespmem:s9], [sflag:$0x4], $0x400, s28, s26, $0x38;
	[tilespmem:$0x18000] =	vst v63  }
0x117: {  	s9 =	sadd.s32 $0xD000, s0;
	s24 =	sadd.s32 $0x100, s2  }
0x118: {  	[hbm4b:s24+s26] =	stream.strided.scatter [tilespmem:s9], [sflag:$0x4], $0x400, s28, s26, $0x38;
	[tilespmem:$0x18000] =	vst v63  }
0x119: {  	s4 =	sadd.s32 $0x140, s2;
	s3 =	sadd.s32 $0xD400, s0  }
0x11a: {  	[hbm4b:s4+s26] =	stream.strided.scatter [tilespmem:s3], [sflag:$0x4], $0x400, s28, s26, $0x38;
	[tilespmem:$0x18000] =	vst v63  }
0x11b: {  	_ =	swait.ge [sflag:s31], $0xC000  }
0x11c: {  	[sflag:s31] =	ssyncset.done $0x0  }
0x11d: {  	[sflag:s31] =	ssyncadd.s32 $0xFFFF4000  }
0x11e: {  	_ =	swait.ge [sflag:s31], $0xC000  }
0x11f: {  	[sflag:s31] =	ssyncset.done $0x0  }
0x120: {  	[sflag:s31] =	ssyncadd.s32 $0xFFFF4000  }
0x121: {  	_ =	swait.ge [sflag:s31], $0xC000  }
0x122: {  	[sflag:s31] =	ssyncset.done $0x0  }
0x123: {  	[sflag:s31] =	ssyncadd.s32 $0xFFFF4000  }
0x124: {  	_ =	swait.ge [sflag:s31], $0xC000  }
0x125: {  	[sflag:s31] =	ssyncset.done $0x0  }
0x126: {  	s9 =	simm.s32 $0x0;
	s24 =	simm.s32 $0xC000;
	[sflag:s31] =	ssyncadd.s32 $0xFFFF4000  }
0x127: {  	[tilespmem:s24], [sflag:$0x2] =	stream.linear.gather [hbm4b:s14+s9], $0xC000, $0x38;
	[tilespmem:$0x18000] =	vst v63  }
0x128: {  	_ =	swait.ge [sflag:s25], $0xC000  }
0x129: {  	[sflag:s25] =	ssyncset.done $0x0  }
0x12a: {  	s2 =	simm.s32 $0x0;
	[sflag:s25] =	ssyncadd.s32 $0xFFFF4000  }
0x12b: {  	[hbm4b:s15+s26] =	stream.strided.scatter [tilespmem:s2], [sflag:$0x3], $0x400, s28, s26, $0x38;
	[tilespmem:$0x18000] =	vst v63  }
0x12c: {  	s0 =	simm.s32 $0x6000;
	s3 =	simm.s32 $0x400;
	s4 =	sadd.s32 $0x40, s15  }
0x12d: {  	[hbm4b:s4+s26] =	stream.strided.scatter [tilespmem:s3], [sflag:$0x3], $0x400, s28, s26, $0x38;
	[tilespmem:$0x18000] =	vst v63  }
0x12e: {  	s9 =	simm.s32 $0x800;
	s24 =	sadd.s32 $0x80, s15;
	s2 =	sadd.s32 $0xC00, s15  }
0x12f: {  	[hbm4b:s24+s26] =	stream.strided.scatter [tilespmem:s9], [sflag:$0x3], $0x400, s28, s26, $0x38;
	[tilespmem:$0x18000] =	vst v63  }
0x130: {  	s3 =	simm.s32 $0xC00;
	s4 =	sadd.s32 $0xC0, s15;
	s9 =	simm.s32 $0x1000  }
0x131: {  	[hbm4b:s4+s26] =	stream.strided.scatter [tilespmem:s3], [sflag:$0x3], $0x400, s28, s26, $0x38;
	[tilespmem:$0x18000] =	vst v63  }
0x132: {  	s24 =	sadd.s32 $0x100, s15;
	s3 =	simm.s32 $0x1400;
	s4 =	sadd.s32 $0x140, s15  }
0x133: {  	[hbm4b:s24+s26] =	stream.strided.scatter [tilespmem:s9], [sflag:$0x3], $0x400, s28, s26, $0x38;
	[tilespmem:$0x18000] =	vst v63  }
.LBB2_18:
0x134: {  	[hbm4b:s4+s26] =	stream.strided.scatter [tilespmem:s3], [sflag:$0x3], $0x400, s28, s26, $0x38;
	[tilespmem:$0x18000] =	vst v63  }
0x135: {  	s3 =	sshra.s32 s0, $0x2;
	p0 =	sne.s32 s0, $0x2A000;
	s0 =	sadd.s32 $0x6000, s0  }
0x136: {  	[hbm4b:s2+s26] =	stream.strided.scatter [tilespmem:s3], [sflag:$0x3], $0x400, s28, s26, $0x38;
	[tilespmem:$0x18000] =	vst v63  }
0x137: {  	s9 =	sadd.s32 $0x40, s2;
	s4 =	sadd.s32 $0x400, s3  }
0x138: {  	[hbm4b:s9+s26] =	stream.strided.scatter [tilespmem:s4], [sflag:$0x3], $0x400, s28, s26, $0x38;
	[tilespmem:$0x18000] =	vst v63  }
0x139: {  	s4 =	sadd.s32 $0x800, s3;
	s9 =	sadd.s32 $0x80, s2  }
0x13a: {  	[hbm4b:s9+s26] =	stream.strided.scatter [tilespmem:s4], [sflag:$0x3], $0x400, s28, s26, $0x38;
	[tilespmem:$0x18000] =	vst v63  }
.Ltmp8:
0x13b: {  	s4 =	sadd.s32 $0xC00, s3;
	s9 =	sadd.s32 $0xC0, s2;
	(pc) =	sbr.rel @p0 .LBB2_18-.Ltmp8, $4  }
0x13c: {  	[hbm4b:s9+s26] =	stream.strided.scatter [tilespmem:s4], [sflag:$0x3], $0x400, s28, s26, $0x38;
	[tilespmem:$0x18000] =	vst v63  }
0x13d: {  	s4 =	sadd.s32 $0x1000, s3;
	s9 =	sadd.s32 $0x100, s2  }
0x13e: {  	[hbm4b:s9+s26] =	stream.strided.scatter [tilespmem:s4], [sflag:$0x3], $0x400, s28, s26, $0x38;
	[tilespmem:$0x18000] =	vst v63  }
0x13f: {  	s3 =	sadd.s32 $0x1400, s3;
	s4 =	sadd.s32 $0x140, s2;
	s2 =	sadd.s32 $0xC00, s2  }
0x140: {  	[hbm4b:s4+s26] =	stream.strided.scatter [tilespmem:s3], [sflag:$0x3], $0x400, s28, s26, $0x38;
	[tilespmem:$0x18000] =	vst v63  }
0x141: {  	s0 =	simm.s32 $0x0  }
0x142: {  	[hbm4b:s16+s26] =	stream.strided.scatter [tilespmem:s0], [sflag:$0x3], $0x400, s28, s26, $0x38;
	[tilespmem:$0x18000] =	vst v63  }
0x143: {  	s4 =	simm.s32 $0x400;
	s2 =	sadd.s32 $0x40, s16;
	s9 =	simm.s32 $0x800  }
0x144: {  	[hbm4b:s2+s26] =	stream.strided.scatter [tilespmem:s4], [sflag:$0x3], $0x400, s28, s26, $0x38;
	[tilespmem:$0x18000] =	vst v63  }
0x145: {  	s24 =	sadd.s32 $0x80, s16;
	s3 =	simm.s32 $0xC00;
	s0 =	simm.s32 $0x6000  }
0x146: {  	[hbm4b:s24+s26] =	stream.strided.scatter [tilespmem:s9], [sflag:$0x3], $0x400, s28, s26, $0x38;
	[tilespmem:$0x18000] =	vst v63  }
0x147: {  	s4 =	sadd.s32 $0xC0, s16;
	s2 =	sadd.s32 $0xC00, s16;
	s9 =	simm.s32 $0x1000  }
0x148: {  	[hbm4b:s4+s26] =	stream.strided.scatter [tilespmem:s3], [sflag:$0x3], $0x400, s28, s26, $0x38;
	[tilespmem:$0x18000] =	vst v63  }
0x149: {  	s24 =	sadd.s32 $0x100, s16;
	s3 =	simm.s32 $0x1400;
	s4 =	sadd.s32 $0x140, s16  }
0x14a: {  	[hbm4b:s24+s26] =	stream.strided.scatter [tilespmem:s9], [sflag:$0x3], $0x400, s28, s26, $0x38;
	[tilespmem:$0x18000] =	vst v63  }
.LBB2_20:
0x14b: {  	[hbm4b:s4+s26] =	stream.strided.scatter [tilespmem:s3], [sflag:$0x3], $0x400, s28, s26, $0x38;
	[tilespmem:$0x18000] =	vst v63  }
0x14c: {  	s3 =	sshra.s32 s0, $0x2;
	p0 =	sne.s32 s0, $0x2A000;
	s0 =	sadd.s32 $0x6000, s0  }
0x14d: {  	[hbm4b:s2+s26] =	stream.strided.scatter [tilespmem:s3], [sflag:$0x3], $0x400, s28, s26, $0x38;
	[tilespmem:$0x18000] =	vst v63  }
0x14e: {  	s9 =	sadd.s32 $0x40, s2;
	s4 =	sadd.s32 $0x400, s3  }
0x14f: {  	[hbm4b:s9+s26] =	stream.strided.scatter [tilespmem:s4], [sflag:$0x3], $0x400, s28, s26, $0x38;
	[tilespmem:$0x18000] =	vst v63  }
0x150: {  	s4 =	sadd.s32 $0x800, s3;
	s9 =	sadd.s32 $0x80, s2  }
0x151: {  	[hbm4b:s9+s26] =	stream.strided.scatter [tilespmem:s4], [sflag:$0x3], $0x400, s28, s26, $0x38;
	[tilespmem:$0x18000] =	vst v63  }
.Ltmp9:
0x152: {  	s4 =	sadd.s32 $0xC00, s3;
	s9 =	sadd.s32 $0xC0, s2;
	(pc) =	sbr.rel @p0 .LBB2_20-.Ltmp9, $4  }
0x153: {  	[hbm4b:s9+s26] =	stream.strided.scatter [tilespmem:s4], [sflag:$0x3], $0x400, s28, s26, $0x38;
	[tilespmem:$0x18000] =	vst v63  }
0x154: {  	s4 =	sadd.s32 $0x1000, s3;
	s9 =	sadd.s32 $0x100, s2  }
0x155: {  	[hbm4b:s9+s26] =	stream.strided.scatter [tilespmem:s4], [sflag:$0x3], $0x400, s28, s26, $0x38;
	[tilespmem:$0x18000] =	vst v63  }
0x156: {  	s3 =	sadd.s32 $0x1400, s3;
	s4 =	sadd.s32 $0x140, s2;
	s2 =	sadd.s32 $0xC00, s2  }
0x157: {  	[hbm4b:s4+s26] =	stream.strided.scatter [tilespmem:s3], [sflag:$0x3], $0x400, s28, s26, $0x38;
	[tilespmem:$0x18000] =	vst v63  }
0x158: {  	s0 =	simm.s32 $0x0  }
0x159: {  	[hbm4b:s17+s26] =	stream.strided.scatter [tilespmem:s0], [sflag:$0x3], $0x400, s28, s26, $0x38;
	[tilespmem:$0x18000] =	vst v63  }
0x15a: {  	s4 =	simm.s32 $0x400;
	s2 =	sadd.s32 $0x40, s17;
	s9 =	simm.s32 $0x800  }
0x15b: {  	[hbm4b:s2+s26] =	stream.strided.scatter [tilespmem:s4], [sflag:$0x3], $0x400, s28, s26, $0x38;
	[tilespmem:$0x18000] =	vst v63  }
0x15c: {  	s24 =	sadd.s32 $0x80, s17;
	s3 =	simm.s32 $0xC00;
	s0 =	simm.s32 $0x6000  }
0x15d: {  	[hbm4b:s24+s26] =	stream.strided.scatter [tilespmem:s9], [sflag:$0x3], $0x400, s28, s26, $0x38;
	[tilespmem:$0x18000] =	vst v63  }
0x15e: {  	s4 =	sadd.s32 $0xC0, s17;
	s2 =	sadd.s32 $0xC00, s17;
	s9 =	simm.s32 $0x1000  }
0x15f: {  	[hbm4b:s4+s26] =	stream.strided.scatter [tilespmem:s3], [sflag:$0x3], $0x400, s28, s26, $0x38;
	[tilespmem:$0x18000] =	vst v63  }
0x160: {  	s24 =	sadd.s32 $0x100, s17;
	s3 =	simm.s32 $0x1400;
	s4 =	sadd.s32 $0x140, s17  }
0x161: {  	[hbm4b:s24+s26] =	stream.strided.scatter [tilespmem:s9], [sflag:$0x3], $0x400, s28, s26, $0x38;
	[tilespmem:$0x18000] =	vst v63  }
.LBB2_22:
0x162: {  	[hbm4b:s4+s26] =	stream.strided.scatter [tilespmem:s3], [sflag:$0x3], $0x400, s28, s26, $0x38;
	[tilespmem:$0x18000] =	vst v63  }
0x163: {  	s3 =	sshra.s32 s0, $0x2;
	p0 =	sne.s32 s0, $0x2A000;
	s0 =	sadd.s32 $0x6000, s0  }
0x164: {  	[hbm4b:s2+s26] =	stream.strided.scatter [tilespmem:s3], [sflag:$0x3], $0x400, s28, s26, $0x38;
	[tilespmem:$0x18000] =	vst v63  }
0x165: {  	s9 =	sadd.s32 $0x40, s2;
	s4 =	sadd.s32 $0x400, s3  }
0x166: {  	[hbm4b:s9+s26] =	stream.strided.scatter [tilespmem:s4], [sflag:$0x3], $0x400, s28, s26, $0x38;
	[tilespmem:$0x18000] =	vst v63  }
0x167: {  	s4 =	sadd.s32 $0x800, s3;
	s9 =	sadd.s32 $0x80, s2  }
0x168: {  	[hbm4b:s9+s26] =	stream.strided.scatter [tilespmem:s4], [sflag:$0x3], $0x400, s28, s26, $0x38;
	[tilespmem:$0x18000] =	vst v63  }
.Ltmp10:
0x169: {  	s4 =	sadd.s32 $0xC00, s3;
	s9 =	sadd.s32 $0xC0, s2;
	(pc) =	sbr.rel @p0 .LBB2_22-.Ltmp10, $4  }
0x16a: {  	[hbm4b:s9+s26] =	stream.strided.scatter [tilespmem:s4], [sflag:$0x3], $0x400, s28, s26, $0x38;
	[tilespmem:$0x18000] =	vst v63  }
0x16b: {  	s4 =	sadd.s32 $0x1000, s3;
	s9 =	sadd.s32 $0x100, s2  }
0x16c: {  	[hbm4b:s9+s26] =	stream.strided.scatter [tilespmem:s4], [sflag:$0x3], $0x400, s28, s26, $0x38;
	[tilespmem:$0x18000] =	vst v63  }
0x16d: {  	s3 =	sadd.s32 $0x1400, s3;
	s4 =	sadd.s32 $0x140, s2;
	s2 =	sadd.s32 $0xC00, s2  }
0x16e: {  	[hbm4b:s4+s26] =	stream.strided.scatter [tilespmem:s3], [sflag:$0x3], $0x400, s28, s26, $0x38;
	[tilespmem:$0x18000] =	vst v63  }
0x16f: {  	s0 =	simm.s32 $0x0  }
0x170: {  	[hbm4b:s18+s26] =	stream.strided.scatter [tilespmem:s0], [sflag:$0x3], $0x400, s28, s26, $0x38;
	[tilespmem:$0x18000] =	vst v63  }
0x171: {  	s4 =	simm.s32 $0x400;
	s2 =	sadd.s32 $0x40, s18;
	s9 =	simm.s32 $0x800  }
0x172: {  	[hbm4b:s2+s26] =	stream.strided.scatter [tilespmem:s4], [sflag:$0x3], $0x400, s28, s26, $0x38;
	[tilespmem:$0x18000] =	vst v63  }
0x173: {  	s24 =	sadd.s32 $0x80, s18;
	s3 =	simm.s32 $0xC00;
	s0 =	simm.s32 $0x6000  }
0x174: {  	[hbm4b:s24+s26] =	stream.strided.scatter [tilespmem:s9], [sflag:$0x3], $0x400, s28, s26, $0x38;
	[tilespmem:$0x18000] =	vst v63  }
0x175: {  	s4 =	sadd.s32 $0xC0, s18;
	s2 =	sadd.s32 $0xC00, s18;
	s9 =	simm.s32 $0x1000  }
0x176: {  	[hbm4b:s4+s26] =	stream.strided.scatter [tilespmem:s3], [sflag:$0x3], $0x400, s28, s26, $0x38;
	[tilespmem:$0x18000] =	vst v63  }
0x177: {  	s24 =	sadd.s32 $0x100, s18;
	s3 =	simm.s32 $0x1400;
	s4 =	sadd.s32 $0x140, s18  }
0x178: {  	[hbm4b:s24+s26] =	stream.strided.scatter [tilespmem:s9], [sflag:$0x3], $0x400, s28, s26, $0x38;
	[tilespmem:$0x18000] =	vst v63  }
.LBB2_24:
0x179: {  	[hbm4b:s4+s26] =	stream.strided.scatter [tilespmem:s3], [sflag:$0x3], $0x400, s28, s26, $0x38;
	[tilespmem:$0x18000] =	vst v63  }
0x17a: {  	s3 =	sshra.s32 s0, $0x2;
	p0 =	sne.s32 s0, $0x2A000;
	s0 =	sadd.s32 $0x6000, s0  }
0x17b: {  	[hbm4b:s2+s26] =	stream.strided.scatter [tilespmem:s3], [sflag:$0x3], $0x400, s28, s26, $0x38;
	[tilespmem:$0x18000] =	vst v63  }
0x17c: {  	s9 =	sadd.s32 $0x40, s2;
	s4 =	sadd.s32 $0x400, s3  }
0x17d: {  	[hbm4b:s9+s26] =	stream.strided.scatter [tilespmem:s4], [sflag:$0x3], $0x400, s28, s26, $0x38;
	[tilespmem:$0x18000] =	vst v63  }
0x17e: {  	s4 =	sadd.s32 $0x800, s3;
	s9 =	sadd.s32 $0x80, s2  }
0x17f: {  	[hbm4b:s9+s26] =	stream.strided.scatter [tilespmem:s4], [sflag:$0x3], $0x400, s28, s26, $0x38;
	[tilespmem:$0x18000] =	vst v63  }
.Ltmp11:
0x180: {  	s4 =	sadd.s32 $0xC00, s3;
	s9 =	sadd.s32 $0xC0, s2;
	(pc) =	sbr.rel @p0 .LBB2_24-.Ltmp11, $4  }
0x181: {  	[hbm4b:s9+s26] =	stream.strided.scatter [tilespmem:s4], [sflag:$0x3], $0x400, s28, s26, $0x38;
	[tilespmem:$0x18000] =	vst v63  }
0x182: {  	s4 =	sadd.s32 $0x1000, s3;
	s9 =	sadd.s32 $0x100, s2  }
0x183: {  	[hbm4b:s9+s26] =	stream.strided.scatter [tilespmem:s4], [sflag:$0x3], $0x400, s28, s26, $0x38;
	[tilespmem:$0x18000] =	vst v63  }
0x184: {  	s3 =	sadd.s32 $0x1400, s3;
	s4 =	sadd.s32 $0x140, s2;
	s2 =	sadd.s32 $0xC00, s2  }
0x185: {  	[hbm4b:s4+s26] =	stream.strided.scatter [tilespmem:s3], [sflag:$0x3], $0x400, s28, s26, $0x38;
	[tilespmem:$0x18000] =	vst v63  }
0x186: {  	_ =	swait.ge [sflag:s30], $0xC000  }
0x187: {  	[sflag:s30] =	ssyncset.done $0x0  }
0x188: {  	s0 =	simm.s32 $0xC000;
	[sflag:s30] =	ssyncadd.s32 $0xFFFF4000  }
0x189: {  	[hbm4b:s19+s26] =	stream.strided.scatter [tilespmem:s0], [sflag:$0x4], $0x400, s28, s26, $0x38;
	[tilespmem:$0x18000] =	vst v63  }
0x18a: {  	s4 =	simm.s32 $0xC400;
	s2 =	sadd.s32 $0x40, s19  }
0x18b: {  	[hbm4b:s2+s26] =	stream.strided.scatter [tilespmem:s4], [sflag:$0x4], $0x400, s28, s26, $0x38;
	[tilespmem:$0x18000] =	vst v63  }
0x18c: {  	s9 =	simm.s32 $0xC800;
	s24 =	sadd.s32 $0x80, s19  }
0x18d: {  	[hbm4b:s24+s26] =	stream.strided.scatter [tilespmem:s9], [sflag:$0x4], $0x400, s28, s26, $0x38;
	[tilespmem:$0x18000] =	vst v63  }
0x18e: {  	s3 =	simm.s32 $0xCC00;
	s0 =	simm.s32 $0x1800;
	s4 =	sadd.s32 $0xC0, s19  }
0x18f: {  	[hbm4b:s4+s26] =	stream.strided.scatter [tilespmem:s3], [sflag:$0x4], $0x400, s28, s26, $0x38;
	[tilespmem:$0x18000] =	vst v63  }
0x190: {  	s2 =	sadd.s32 $0xC00, s19;
	s9 =	simm.s32 $0xD000;
	s24 =	sadd.s32 $0x100, s19  }
0x191: {  	[hbm4b:s24+s26] =	stream.strided.scatter [tilespmem:s9], [sflag:$0x4], $0x400, s28, s26, $0x38;
	[tilespmem:$0x18000] =	vst v63  }
0x192: {  	s3 =	simm.s32 $0xC000;
	s4 =	simm.s32 $0xD400;
	s9 =	sadd.s32 $0x140, s19  }
.LBB2_26:
0x193: {  	[hbm4b:s9+s26] =	stream.strided.scatter [tilespmem:s4], [sflag:$0x4], $0x400, s28, s26, $0x38;
	[tilespmem:$0x18000] =	vst v63  }
0x194: {  	s4 =	smov.u32 s0;
	s0 =	smov.u32 s3  }
0x195: {  	s24 =	sadd.s32 $0x6000, s3;
	s0 =	sshra.s32 s0, $0x2;
	s9 =	sadd.s32 $0xC000, s4  }
0x196: {  	[hbm4b:s2+s26] =	stream.strided.scatter [tilespmem:s9], [sflag:$0x4], $0x400, s28, s26, $0x38;
	[tilespmem:$0x18000] =	vst v63  }
0x197: {  	p0 =	sne.s32 s3, $0x2A000;
	s3 =	sadd.s32 $0xC400, s4;
	s9 =	sadd.s32 $0x40, s2  }
0x198: {  	[hbm4b:s9+s26] =	stream.strided.scatter [tilespmem:s3], [sflag:$0x4], $0x400, s28, s26, $0x38;
	[tilespmem:$0x18000] =	vst v63  }
0x199: {  	s3 =	sadd.s32 $0xC800, s4;
	s9 =	sadd.s32 $0x80, s2  }
0x19a: {  	[hbm4b:s9+s26] =	stream.strided.scatter [tilespmem:s3], [sflag:$0x4], $0x400, s28, s26, $0x38;
	[tilespmem:$0x18000] =	vst v63  }
.Ltmp12:
0x19b: {  	s3 =	sadd.s32 $0xCC00, s4;
	s9 =	sadd.s32 $0xC0, s2;
	(pc) =	sbr.rel @p0 .LBB2_26-.Ltmp12, $4  }
0x19c: {  	[hbm4b:s9+s26] =	stream.strided.scatter [tilespmem:s3], [sflag:$0x4], $0x400, s28, s26, $0x38;
	[tilespmem:$0x18000] =	vst v63  }
0x19d: {  	s3 =	sadd.s32 $0xD000, s4;
	s9 =	sadd.s32 $0x100, s2;
	s4 =	sadd.s32 $0xD400, s4  }
0x19e: {  	[hbm4b:s9+s26] =	stream.strided.scatter [tilespmem:s3], [sflag:$0x4], $0x400, s28, s26, $0x38;
	[tilespmem:$0x18000] =	vst v63  }
0x19f: {  	s9 =	sadd.s32 $0x140, s2;
	s2 =	sadd.s32 $0xC00, s2;
	s3 =	smov.u32 s24  }
0x1a0: {  	[hbm4b:s9+s26] =	stream.strided.scatter [tilespmem:s4], [sflag:$0x4], $0x400, s28, s26, $0x38;
	[tilespmem:$0x18000] =	vst v63  }
0x1a1: {  	s3 =	sadd.s32 $0xC000, s0  }
0x1a2: {  	[hbm4b:s2+s26] =	stream.strided.scatter [tilespmem:s3], [sflag:$0x4], $0x400, s28, s26, $0x38;
	[tilespmem:$0x18000] =	vst v63  }
0x1a3: {  	s9 =	sadd.s32 $0xC400, s0;
	s24 =	sadd.s32 $0x40, s2  }
0x1a4: {  	[hbm4b:s24+s26] =	stream.strided.scatter [tilespmem:s9], [sflag:$0x4], $0x400, s28, s26, $0x38;
	[tilespmem:$0x18000] =	vst v63  }
0x1a5: {  	s9 =	sadd.s32 $0xC800, s0;
	s24 =	sadd.s32 $0x80, s2  }
0x1a6: {  	[hbm4b:s24+s26] =	stream.strided.scatter [tilespmem:s9], [sflag:$0x4], $0x400, s28, s26, $0x38;
	[tilespmem:$0x18000] =	vst v63  }
0x1a7: {  	s9 =	sadd.s32 $0xCC00, s0;
	s24 =	sadd.s32 $0xC0, s2  }
0x1a8: {  	[hbm4b:s24+s26] =	stream.strided.scatter [tilespmem:s9], [sflag:$0x4], $0x400, s28, s26, $0x38;
	[tilespmem:$0x18000] =	vst v63  }
0x1a9: {  	s9 =	sadd.s32 $0xD000, s0;
	s24 =	sadd.s32 $0x100, s2  }
0x1aa: {  	[hbm4b:s24+s26] =	stream.strided.scatter [tilespmem:s9], [sflag:$0x4], $0x400, s28, s26, $0x38;
	[tilespmem:$0x18000] =	vst v63  }
0x1ab: {  	s9 =	sadd.s32 $0xD400, s0;
	s24 =	sadd.s32 $0x140, s2  }
0x1ac: {  	[hbm4b:s24+s26] =	stream.strided.scatter [tilespmem:s9], [sflag:$0x4], $0x400, s28, s26, $0x38;
	[tilespmem:$0x18000] =	vst v63  }
0x1ad: {  	s2 =	simm.s32 $0xC000  }
0x1ae: {  	[hbm4b:s20+s26] =	stream.strided.scatter [tilespmem:s2], [sflag:$0x4], $0x400, s28, s26, $0x38;
	[tilespmem:$0x18000] =	vst v63  }
0x1af: {  	s4 =	sadd.s32 $0x40, s20;
	s3 =	simm.s32 $0xC400  }
0x1b0: {  	[hbm4b:s4+s26] =	stream.strided.scatter [tilespmem:s3], [sflag:$0x4], $0x400, s28, s26, $0x38;
	[tilespmem:$0x18000] =	vst v63  }
0x1b1: {  	s9 =	simm.s32 $0xC800;
	s24 =	sadd.s32 $0x80, s20  }
0x1b2: {  	[hbm4b:s24+s26] =	stream.strided.scatter [tilespmem:s9], [sflag:$0x4], $0x400, s28, s26, $0x38;
	[tilespmem:$0x18000] =	vst v63  }
0x1b3: {  	s0 =	simm.s32 $0x1800;
	s3 =	simm.s32 $0xCC00;
	s4 =	sadd.s32 $0xC0, s20  }
0x1b4: {  	[hbm4b:s4+s26] =	stream.strided.scatter [tilespmem:s3], [sflag:$0x4], $0x400, s28, s26, $0x38;
	[tilespmem:$0x18000] =	vst v63  }
0x1b5: {  	s2 =	sadd.s32 $0xC00, s20;
	s9 =	simm.s32 $0xD000;
	s24 =	sadd.s32 $0x100, s20  }
0x1b6: {  	[hbm4b:s24+s26] =	stream.strided.scatter [tilespmem:s9], [sflag:$0x4], $0x400, s28, s26, $0x38;
	[tilespmem:$0x18000] =	vst v63  }
0x1b7: {  	s3 =	simm.s32 $0xC000;
	s4 =	simm.s32 $0xD400;
	s9 =	sadd.s32 $0x140, s20  }
.LBB2_28:
0x1b8: {  	[hbm4b:s9+s26] =	stream.strided.scatter [tilespmem:s4], [sflag:$0x4], $0x400, s28, s26, $0x38;
	[tilespmem:$0x18000] =	vst v63  }
0x1b9: {  	s4 =	smov.u32 s0;
	s0 =	smov.u32 s3  }
0x1ba: {  	s24 =	sadd.s32 $0x6000, s3;
	s0 =	sshra.s32 s0, $0x2;
	s9 =	sadd.s32 $0xC000, s4  }
0x1bb: {  	[hbm4b:s2+s26] =	stream.strided.scatter [tilespmem:s9], [sflag:$0x4], $0x400, s28, s26, $0x38;
	[tilespmem:$0x18000] =	vst v63  }
0x1bc: {  	p0 =	sne.s32 s3, $0x2A000;
	s3 =	sadd.s32 $0xC400, s4;
	s9 =	sadd.s32 $0x40, s2  }
0x1bd: {  	[hbm4b:s9+s26] =	stream.strided.scatter [tilespmem:s3], [sflag:$0x4], $0x400, s28, s26, $0x38;
	[tilespmem:$0x18000] =	vst v63  }
0x1be: {  	s3 =	sadd.s32 $0xC800, s4;
	s9 =	sadd.s32 $0x80, s2  }
0x1bf: {  	[hbm4b:s9+s26] =	stream.strided.scatter [tilespmem:s3], [sflag:$0x4], $0x400, s28, s26, $0x38;
	[tilespmem:$0x18000] =	vst v63  }
.Ltmp13:
0x1c0: {  	s3 =	sadd.s32 $0xCC00, s4;
	s9 =	sadd.s32 $0xC0, s2;
	(pc) =	sbr.rel @p0 .LBB2_28-.Ltmp13, $4  }
0x1c1: {  	[hbm4b:s9+s26] =	stream.strided.scatter [tilespmem:s3], [sflag:$0x4], $0x400, s28, s26, $0x38;
	[tilespmem:$0x18000] =	vst v63  }
0x1c2: {  	s3 =	sadd.s32 $0xD000, s4;
	s9 =	sadd.s32 $0x100, s2;
	s4 =	sadd.s32 $0xD400, s4  }
0x1c3: {  	[hbm4b:s9+s26] =	stream.strided.scatter [tilespmem:s3], [sflag:$0x4], $0x400, s28, s26, $0x38;
	[tilespmem:$0x18000] =	vst v63  }
0x1c4: {  	s9 =	sadd.s32 $0x140, s2;
	s2 =	sadd.s32 $0xC00, s2;
	s3 =	smov.u32 s24  }
0x1c5: {  	[hbm4b:s9+s26] =	stream.strided.scatter [tilespmem:s4], [sflag:$0x4], $0x400, s28, s26, $0x38;
	[tilespmem:$0x18000] =	vst v63  }
0x1c6: {  	s3 =	sadd.s32 $0xC000, s0  }
0x1c7: {  	[hbm4b:s2+s26] =	stream.strided.scatter [tilespmem:s3], [sflag:$0x4], $0x400, s28, s26, $0x38;
	[tilespmem:$0x18000] =	vst v63  }
0x1c8: {  	s9 =	sadd.s32 $0xC400, s0;
	s24 =	sadd.s32 $0x40, s2  }
0x1c9: {  	[hbm4b:s24+s26] =	stream.strided.scatter [tilespmem:s9], [sflag:$0x4], $0x400, s28, s26, $0x38;
	[tilespmem:$0x18000] =	vst v63  }
0x1ca: {  	s9 =	sadd.s32 $0xC800, s0;
	s24 =	sadd.s32 $0x80, s2  }
0x1cb: {  	[hbm4b:s24+s26] =	stream.strided.scatter [tilespmem:s9], [sflag:$0x4], $0x400, s28, s26, $0x38;
	[tilespmem:$0x18000] =	vst v63  }
0x1cc: {  	s9 =	sadd.s32 $0xCC00, s0;
	s24 =	sadd.s32 $0xC0, s2  }
0x1cd: {  	[hbm4b:s24+s26] =	stream.strided.scatter [tilespmem:s9], [sflag:$0x4], $0x400, s28, s26, $0x38;
	[tilespmem:$0x18000] =	vst v63  }
0x1ce: {  	s9 =	sadd.s32 $0xD000, s0;
	s24 =	sadd.s32 $0x100, s2  }
0x1cf: {  	[hbm4b:s24+s26] =	stream.strided.scatter [tilespmem:s9], [sflag:$0x4], $0x400, s28, s26, $0x38;
	[tilespmem:$0x18000] =	vst v63  }
0x1d0: {  	s9 =	sadd.s32 $0xD400, s0;
	s24 =	sadd.s32 $0x140, s2  }
0x1d1: {  	[hbm4b:s24+s26] =	stream.strided.scatter [tilespmem:s9], [sflag:$0x4], $0x400, s28, s26, $0x38;
	[tilespmem:$0x18000] =	vst v63  }
0x1d2: {  	s2 =	simm.s32 $0xC000  }
0x1d3: {  	[hbm4b:s21+s26] =	stream.strided.scatter [tilespmem:s2], [sflag:$0x4], $0x400, s28, s26, $0x38;
	[tilespmem:$0x18000] =	vst v63  }
0x1d4: {  	s4 =	sadd.s32 $0x40, s21;
	s3 =	simm.s32 $0xC400  }
0x1d5: {  	[hbm4b:s4+s26] =	stream.strided.scatter [tilespmem:s3], [sflag:$0x4], $0x400, s28, s26, $0x38;
	[tilespmem:$0x18000] =	vst v63  }
0x1d6: {  	s9 =	simm.s32 $0xC800;
	s24 =	sadd.s32 $0x80, s21  }
0x1d7: {  	[hbm4b:s24+s26] =	stream.strided.scatter [tilespmem:s9], [sflag:$0x4], $0x400, s28, s26, $0x38;
	[tilespmem:$0x18000] =	vst v63  }
0x1d8: {  	s0 =	simm.s32 $0x1800;
	s3 =	simm.s32 $0xCC00;
	s4 =	sadd.s32 $0xC0, s21  }
0x1d9: {  	[hbm4b:s4+s26] =	stream.strided.scatter [tilespmem:s3], [sflag:$0x4], $0x400, s28, s26, $0x38;
	[tilespmem:$0x18000] =	vst v63  }
0x1da: {  	s2 =	sadd.s32 $0xC00, s21;
	s9 =	simm.s32 $0xD000;
	s24 =	sadd.s32 $0x100, s21  }
0x1db: {  	[hbm4b:s24+s26] =	stream.strided.scatter [tilespmem:s9], [sflag:$0x4], $0x400, s28, s26, $0x38;
	[tilespmem:$0x18000] =	vst v63  }
0x1dc: {  	s3 =	simm.s32 $0xC000;
	s4 =	simm.s32 $0xD400;
	s9 =	sadd.s32 $0x140, s21  }
.LBB2_30:
0x1dd: {  	[hbm4b:s9+s26] =	stream.strided.scatter [tilespmem:s4], [sflag:$0x4], $0x400, s28, s26, $0x38;
	[tilespmem:$0x18000] =	vst v63  }
0x1de: {  	s4 =	smov.u32 s0;
	s0 =	smov.u32 s3  }
0x1df: {  	s24 =	sadd.s32 $0x6000, s3;
	s0 =	sshra.s32 s0, $0x2;
	s9 =	sadd.s32 $0xC000, s4  }
0x1e0: {  	[hbm4b:s2+s26] =	stream.strided.scatter [tilespmem:s9], [sflag:$0x4], $0x400, s28, s26, $0x38;
	[tilespmem:$0x18000] =	vst v63  }
0x1e1: {  	p0 =	sne.s32 s3, $0x2A000;
	s3 =	sadd.s32 $0xC400, s4;
	s9 =	sadd.s32 $0x40, s2  }
0x1e2: {  	[hbm4b:s9+s26] =	stream.strided.scatter [tilespmem:s3], [sflag:$0x4], $0x400, s28, s26, $0x38;
	[tilespmem:$0x18000] =	vst v63  }
0x1e3: {  	s3 =	sadd.s32 $0xC800, s4;
	s9 =	sadd.s32 $0x80, s2  }
0x1e4: {  	[hbm4b:s9+s26] =	stream.strided.scatter [tilespmem:s3], [sflag:$0x4], $0x400, s28, s26, $0x38;
	[tilespmem:$0x18000] =	vst v63  }
.Ltmp14:
0x1e5: {  	s3 =	sadd.s32 $0xCC00, s4;
	s9 =	sadd.s32 $0xC0, s2;
	(pc) =	sbr.rel @p0 .LBB2_30-.Ltmp14, $4  }
0x1e6: {  	[hbm4b:s9+s26] =	stream.strided.scatter [tilespmem:s3], [sflag:$0x4], $0x400, s28, s26, $0x38;
	[tilespmem:$0x18000] =	vst v63  }
0x1e7: {  	s3 =	sadd.s32 $0xD000, s4;
	s9 =	sadd.s32 $0x100, s2;
	s4 =	sadd.s32 $0xD400, s4  }
0x1e8: {  	[hbm4b:s9+s26] =	stream.strided.scatter [tilespmem:s3], [sflag:$0x4], $0x400, s28, s26, $0x38;
	[tilespmem:$0x18000] =	vst v63  }
0x1e9: {  	s9 =	sadd.s32 $0x140, s2;
	s2 =	sadd.s32 $0xC00, s2;
	s3 =	smov.u32 s24  }
0x1ea: {  	[hbm4b:s9+s26] =	stream.strided.scatter [tilespmem:s4], [sflag:$0x4], $0x400, s28, s26, $0x38;
	[tilespmem:$0x18000] =	vst v63  }
0x1eb: {  	s3 =	sadd.s32 $0xC000, s0  }
0x1ec: {  	[hbm4b:s2+s26] =	stream.strided.scatter [tilespmem:s3], [sflag:$0x4], $0x400, s28, s26, $0x38;
	[tilespmem:$0x18000] =	vst v63  }
0x1ed: {  	s9 =	sadd.s32 $0xC400, s0;
	s24 =	sadd.s32 $0x40, s2  }
0x1ee: {  	[hbm4b:s24+s26] =	stream.strided.scatter [tilespmem:s9], [sflag:$0x4], $0x400, s28, s26, $0x38;
	[tilespmem:$0x18000] =	vst v63  }
0x1ef: {  	s9 =	sadd.s32 $0xC800, s0;
	s24 =	sadd.s32 $0x80, s2  }
0x1f0: {  	[hbm4b:s24+s26] =	stream.strided.scatter [tilespmem:s9], [sflag:$0x4], $0x400, s28, s26, $0x38;
	[tilespmem:$0x18000] =	vst v63  }
0x1f1: {  	s9 =	sadd.s32 $0xCC00, s0;
	s24 =	sadd.s32 $0xC0, s2  }
0x1f2: {  	[hbm4b:s24+s26] =	stream.strided.scatter [tilespmem:s9], [sflag:$0x4], $0x400, s28, s26, $0x38;
	[tilespmem:$0x18000] =	vst v63  }
0x1f3: {  	s9 =	sadd.s32 $0xD000, s0;
	s24 =	sadd.s32 $0x100, s2  }
0x1f4: {  	[hbm4b:s24+s26] =	stream.strided.scatter [tilespmem:s9], [sflag:$0x4], $0x400, s28, s26, $0x38;
	[tilespmem:$0x18000] =	vst v63  }
0x1f5: {  	s9 =	sadd.s32 $0xD400, s0;
	s24 =	sadd.s32 $0x140, s2  }
0x1f6: {  	[hbm4b:s24+s26] =	stream.strided.scatter [tilespmem:s9], [sflag:$0x4], $0x400, s28, s26, $0x38;
	[tilespmem:$0x18000] =	vst v63  }
0x1f7: {  	s2 =	simm.s32 $0xC000  }
0x1f8: {  	[hbm4b:s22+s26] =	stream.strided.scatter [tilespmem:s2], [sflag:$0x4], $0x400, s28, s26, $0x38;
	[tilespmem:$0x18000] =	vst v63  }
0x1f9: {  	s4 =	sadd.s32 $0x40, s22;
	s3 =	simm.s32 $0xC400  }
0x1fa: {  	[hbm4b:s4+s26] =	stream.strided.scatter [tilespmem:s3], [sflag:$0x4], $0x400, s28, s26, $0x38;
	[tilespmem:$0x18000] =	vst v63  }
0x1fb: {  	s9 =	simm.s32 $0xC800;
	s24 =	sadd.s32 $0x80, s22  }
0x1fc: {  	[hbm4b:s24+s26] =	stream.strided.scatter [tilespmem:s9], [sflag:$0x4], $0x400, s28, s26, $0x38;
	[tilespmem:$0x18000] =	vst v63  }
0x1fd: {  	s0 =	simm.s32 $0x1800;
	s3 =	simm.s32 $0xCC00;
	s4 =	sadd.s32 $0xC0, s22  }
0x1fe: {  	[hbm4b:s4+s26] =	stream.strided.scatter [tilespmem:s3], [sflag:$0x4], $0x400, s28, s26, $0x38;
	[tilespmem:$0x18000] =	vst v63  }
0x1ff: {  	s2 =	sadd.s32 $0xC00, s22;
	s9 =	simm.s32 $0xD000;
	s24 =	sadd.s32 $0x100, s22  }
0x200: {  	[hbm4b:s24+s26] =	stream.strided.scatter [tilespmem:s9], [sflag:$0x4], $0x400, s28, s26, $0x38;
	[tilespmem:$0x18000] =	vst v63  }
0x201: {  	s3 =	simm.s32 $0xC000;
	s4 =	simm.s32 $0xD400;
	s9 =	sadd.s32 $0x140, s22  }
.LBB2_32:
0x202: {  	[hbm4b:s9+s26] =	stream.strided.scatter [tilespmem:s4], [sflag:$0x4], $0x400, s28, s26, $0x38;
	[tilespmem:$0x18000] =	vst v63  }
0x203: {  	s4 =	smov.u32 s0;
	s0 =	smov.u32 s3  }
0x204: {  	s24 =	sadd.s32 $0x6000, s3;
	s0 =	sshra.s32 s0, $0x2;
	s9 =	sadd.s32 $0xC000, s4  }
0x205: {  	[hbm4b:s2+s26] =	stream.strided.scatter [tilespmem:s9], [sflag:$0x4], $0x400, s28, s26, $0x38;
	[tilespmem:$0x18000] =	vst v63  }
0x206: {  	p0 =	sne.s32 s3, $0x2A000;
	s3 =	sadd.s32 $0xC400, s4;
	s9 =	sadd.s32 $0x40, s2  }
0x207: {  	[hbm4b:s9+s26] =	stream.strided.scatter [tilespmem:s3], [sflag:$0x4], $0x400, s28, s26, $0x38;
	[tilespmem:$0x18000] =	vst v63  }
0x208: {  	s3 =	sadd.s32 $0xC800, s4;
	s9 =	sadd.s32 $0x80, s2  }
0x209: {  	[hbm4b:s9+s26] =	stream.strided.scatter [tilespmem:s3], [sflag:$0x4], $0x400, s28, s26, $0x38;
	[tilespmem:$0x18000] =	vst v63  }
.Ltmp15:
0x20a: {  	s3 =	sadd.s32 $0xCC00, s4;
	s9 =	sadd.s32 $0xC0, s2;
	(pc) =	sbr.rel @p0 .LBB2_32-.Ltmp15, $4  }
0x20b: {  	[hbm4b:s9+s26] =	stream.strided.scatter [tilespmem:s3], [sflag:$0x4], $0x400, s28, s26, $0x38;
	[tilespmem:$0x18000] =	vst v63  }
0x20c: {  	s3 =	sadd.s32 $0xD000, s4;
	s9 =	sadd.s32 $0x100, s2;
	s4 =	sadd.s32 $0xD400, s4  }
0x20d: {  	[hbm4b:s9+s26] =	stream.strided.scatter [tilespmem:s3], [sflag:$0x4], $0x400, s28, s26, $0x38;
	[tilespmem:$0x18000] =	vst v63  }
0x20e: {  	s9 =	sadd.s32 $0x140, s2;
	s2 =	sadd.s32 $0xC00, s2;
	s3 =	smov.u32 s24  }
0x20f: {  	[hbm4b:s9+s26] =	stream.strided.scatter [tilespmem:s4], [sflag:$0x4], $0x400, s28, s26, $0x38;
	[tilespmem:$0x18000] =	vst v63  }
0x210: {  	s3 =	sadd.s32 $0xC000, s0  }
0x211: {  	[hbm4b:s2+s26] =	stream.strided.scatter [tilespmem:s3], [sflag:$0x4], $0x400, s28, s26, $0x38;
	[tilespmem:$0x18000] =	vst v63  }
0x212: {  	s9 =	sadd.s32 $0xC400, s0;
	s24 =	sadd.s32 $0x40, s2  }
0x213: {  	[hbm4b:s24+s26] =	stream.strided.scatter [tilespmem:s9], [sflag:$0x4], $0x400, s28, s26, $0x38;
	[tilespmem:$0x18000] =	vst v63  }
0x214: {  	s9 =	sadd.s32 $0xC800, s0;
	s24 =	sadd.s32 $0x80, s2  }
0x215: {  	[hbm4b:s24+s26] =	stream.strided.scatter [tilespmem:s9], [sflag:$0x4], $0x400, s28, s26, $0x38;
	[tilespmem:$0x18000] =	vst v63  }
0x216: {  	s9 =	sadd.s32 $0xCC00, s0;
	s24 =	sadd.s32 $0xC0, s2  }
0x217: {  	[hbm4b:s24+s26] =	stream.strided.scatter [tilespmem:s9], [sflag:$0x4], $0x400, s28, s26, $0x38;
	[tilespmem:$0x18000] =	vst v63  }
0x218: {  	s9 =	sadd.s32 $0xD000, s0;
	s24 =	sadd.s32 $0x100, s2  }
0x219: {  	[hbm4b:s24+s26] =	stream.strided.scatter [tilespmem:s9], [sflag:$0x4], $0x400, s28, s26, $0x38;
	[tilespmem:$0x18000] =	vst v63  }
0x21a: {  	s9 =	sadd.s32 $0xD400, s0;
	s24 =	sadd.s32 $0x140, s2  }
0x21b: {  	[hbm4b:s24+s26] =	stream.strided.scatter [tilespmem:s9], [sflag:$0x4], $0x400, s28, s26, $0x38;
	[tilespmem:$0x18000] =	vst v63  }
0x21c: {  	_ =	swait.ge [sflag:s29], $0xC000  }
0x21d: {  	[sflag:s29] =	ssyncset.done $0x0  }
0x21e: {  	[sflag:s29] =	ssyncadd.s32 $0xFFFF4000  }
0x21f: {  	_ =	swait.ge [sflag:s29], $0xC000  }
0x220: {  	[sflag:s29] =	ssyncset.done $0x0  }
0x221: {  	[sflag:s29] =	ssyncadd.s32 $0xFFFF4000  }
0x222: {  	_ =	swait.ge [sflag:s29], $0xC000  }
0x223: {  	[sflag:s29] =	ssyncset.done $0x0  }
0x224: {  	[sflag:s29] =	ssyncadd.s32 $0xFFFF4000  }
0x225: {  	_ =	swait.ge [sflag:s29], $0xC000  }
0x226: {  	[sflag:s29] =	ssyncset.done $0x0  }
0x227: {  	[sflag:s29] =	ssyncadd.s32 $0xFFFF4000  }
0x228: {  	_ =	swait.ge [sflag:s31], $0xC000  }
0x229: {  	[sflag:s31] =	ssyncset.done $0x0  }
0x22a: {  	[sflag:s31] =	ssyncadd.s32 $0xFFFF4000  }
0x22b: {  	_ =	swait.ge [sflag:s31], $0xC000  }
0x22c: {  	[sflag:s31] =	ssyncset.done $0x0  }
0x22d: {  	s1 =	sadd.s32 $0x1, s1;
	[sflag:s31] =	ssyncadd.s32 $0xFFFF4000  }
0x22e: {  	p0 =	sne.s32 s1, s23;
	_ =	swait.ge [sflag:s31], $0xC000  }
.Ltmp16:
0x22f: {  	[sflag:s31] =	ssyncset.done $0x0;
	(pc) =	sbr.rel @p0 .LBB2_1-.Ltmp16, $4  }
0x230: {  	[sflag:s31] =	ssyncadd.s32 $0xFFFF4000  }
0x231: {  	_ =	swait.ge [sflag:s31], $0xC000  }
0x232: {  	[sflag:s31] =	ssyncset.done $0x0  }
0x233: {  	[sflag:s31] =	ssyncadd.s32 $0xFFFF4000  }
0x234: {  	_ =	sfence.sel $0x180000  }
0x235: {  	[bflag:$0x0] =	sbarrier.arrive $0xFFFF  }
0x236: {  	_ =	strace $0x90000047  }
0x237: {  	s0 =	stileid.u32;
	[bflag:$0x2] =	sbarrier.arrive $0xFFFF  }
0x238: {  	p0 =	sne.s32 s0, $0x0;
	s0 =	rddreg [dreg:$0x2]  }
0x239: {  	s0 =	sadd.s32 @!p0 $0x100000, s0  }
0x23a: {  	[sflag:s0] =	ssyncadd.tile.s32 @!p0 $0x1;
	_ =	shalt  }
.Lfunc_end2:
_tile_overlayer_lowered:
.L_overlay_start_2:
0x23b: {  	(tag) =	ssettag $0x2  }
0x23c: {  	s0 =	rddreg [dreg:$0x0];
	s2 =	stileid.u32  }
0x23d: {  	s1 =	rddreg [dreg:$0x1];
	p0 =	sne.s32 s2, $0x0  }
0x23e: {  	s3 =	rddreg [dreg:$0x2];
	[bflag:$0x3] =	sbarrier.arrive $0xFFFF;
	s2 =	simm.s32 @!p0 $0x1C05  }
0x23f: {  	[timem:s3], [sflag:s2] =	dma.local @!p0 [hbm:s0], s1  }
0x240: {  	s0 =	simm.s32 @!p0 $0x5  }
0x241: {  	_ =	swait.ge @!p0 [sflag:s0], s1  }
0x242: {  	s1 =	ssub.s32 @!p0 $0x0, s1;
	[sflag:s0] =	ssyncset.done @!p0 $0x0  }
0x243: {  	[sflag:s0] =	ssyncadd.s32 @!p0 s1  }
0x244: {  	[bflag:$0x3] =	sbarrier.arrive $0xFFFF  }
0x245: {  	_ =	shalt  }

</sc_bundles>
